<compile_context>
chip_gen: v7x
topology: tpu7x:2x2x1
jax: 0.10.2.dev20260603
libtpu: 0.0.44.dev20260713+nightly
codegen_flags: <defaults>
</compile_context>

<pallas_src>
import functools

import jax
import jax.numpy as jnp
from jax import lax
from jax.experimental import pallas as pl
from jax.experimental.pallas import tpu as pltpu
from jax.experimental.pallas import tpu_sc as plsc

N_NODES = 10000
NPAD = 10240
IN_CH = 128
HID_CH = 128
OUT_CH = 64
N_EDGES = 320000

NC, NS = 2, 16
NW = NC * NS
CH = 80
NCHUNK = 125
EPT = NCHUNK * CH
RPT = NPAD // NS
RW = NPAD // NW
PCH = 80

_MESH = plsc.VectorSubcoreMesh(
    core_axis_name="c", subcore_axis_name="s", num_cores=NC, num_subcores=NS
)

_SC_PARAMS = pltpu.CompilerParams(
    needs_layout_passes=False, use_tc_tiling_on_sc=False
)



def _deg_body(dst_hbm, zeros_hbm, out_hbm, hist_v, dbuf_v):
    c = lax.axis_index("c")
    s = lax.axis_index("s")
    wid = s * NC + c
    pltpu.sync_copy(zeros_hbm, hist_v)
    base = wid * EPT
    ones = jnp.ones((16,), jnp.float32)

    def outer(i, carry):
        pltpu.sync_copy(dst_hbm.at[pl.ds(base + i * 2000, 2000)], dbuf_v)

        def inner(j, carry2):
            d16 = dbuf_v[pl.ds(j * 16, 16)]
            plsc.addupdate_scatter(hist_v, [d16], ones)
            return carry2

        return lax.fori_loop(0, 125, inner, carry)

    lax.fori_loop(0, 5, outer, 0)
    pltpu.sync_copy(hist_v, out_hbm.at[wid])


_deg_call = functools.partial(
    pl.kernel,
    compiler_params=_SC_PARAMS,
    out_type=jax.ShapeDtypeStruct((NW, NPAD), jnp.float32),
    mesh=_MESH,
    scratch_types=[
        pltpu.VMEM((NPAD,), jnp.float32),
        pltpu.VMEM((2000,), jnp.int32),
    ],
)(_deg_body)



def _agg_body(D, y_hbm, zeros_hbm, src_hbm, dst_hbm, out_hbm,
              acc_sh, src_v, dst_v, rows_v, sem):
    c = lax.axis_index("c")
    s = lax.axis_index("s")
    wid = s * NC + c
    r0 = s * RPT

    @pl.when(c == 0)
    def _():
        pltpu.sync_copy(y_hbm.at[pl.ds(r0, RPT)], acc_sh.at[pl.ds(r0, RPT)])

    @pl.when(c != 0)
    def _():
        pltpu.sync_copy(zeros_hbm.at[pl.ds(r0, RPT)],
                        acc_sh.at[pl.ds(r0, RPT)])

    plsc.subcore_barrier()
    base = wid * EPT

    def step(i, carry):
        off = base + i * CH
        pltpu.sync_copy(src_hbm.at[pl.ds(off, CH)], src_v)
        pltpu.sync_copy(dst_hbm.at[pl.ds(off, CH)], dst_v)
        pltpu.async_copy(y_hbm.at[src_v], rows_v, sem).wait()
        pltpu.sync_copy(rows_v, acc_sh.at[dst_v], add=True)
        return carry

    lax.fori_loop(0, NCHUNK, step, 0)
    plsc.subcore_barrier()
    pltpu.sync_copy(acc_sh.at[pl.ds(r0, RPT)], out_hbm.at[c, pl.ds(r0, RPT)])


def _make_agg(D):
    return functools.partial(
        pl.kernel,
        compiler_params=_SC_PARAMS,
        out_type=jax.ShapeDtypeStruct((NC, NPAD, D), jnp.float32),
        mesh=_MESH,
        scratch_types=[
            pltpu.VMEM_SHARED((NPAD, D), jnp.float32),
            pltpu.VMEM((CH,), jnp.int32),
            pltpu.VMEM((CH,), jnp.int32),
            pltpu.VMEM((CH, D), jnp.float32),
            pltpu.SemaphoreType.DMA,
        ],
    )(functools.partial(_agg_body, D))


_agg_call_128 = _make_agg(HID_CH)
_agg_call_64 = _make_agg(OUT_CH)



def _perm_body(bm_hbm, perm_hbm, out_hbm, pidx_v, rows_v, sem):
    c = lax.axis_index("c")
    s = lax.axis_index("s")
    wid = s * NC + c
    base = wid * RW

    def step(i, carry):
        off = base + i * PCH
        pltpu.sync_copy(perm_hbm.at[pl.ds(off, PCH)], pidx_v)
        pltpu.async_copy(bm_hbm.at[pidx_v], rows_v, sem).wait()
        pltpu.sync_copy(rows_v, out_hbm.at[pl.ds(off, PCH)])
        return carry

    lax.fori_loop(0, RW // PCH, step, 0)


_perm_call = functools.partial(
    pl.kernel,
    compiler_params=_SC_PARAMS,
    out_type=jax.ShapeDtypeStruct((NPAD, OUT_CH), jnp.float32),
    mesh=_MESH,
    scratch_types=[
        pltpu.VMEM((PCH,), jnp.int32),
        pltpu.VMEM((PCH, OUT_CH), jnp.float32),
        pltpu.SemaphoreType.DMA,
    ],
)(_perm_body)



_BLK = 512


def _mm1_body(x_ref, w_ref, dinv_ref, o_ref):
    o_ref[...] = (
        jnp.dot(x_ref[...], w_ref[...], preferred_element_type=jnp.float32)
        * dinv_ref[...]
    )


def _mm1(x_pad, W1, dinv2d):
    return pl.pallas_call(
        _mm1_body,
        grid=(NPAD // _BLK,),
        in_specs=[
            pl.BlockSpec((_BLK, IN_CH), lambda i: (i, 0)),
            pl.BlockSpec((IN_CH, HID_CH), lambda i: (0, 0)),
            pl.BlockSpec((_BLK, 1), lambda i: (i, 0)),
        ],
        out_specs=pl.BlockSpec((_BLK, HID_CH), lambda i: (i, 0)),
        out_shape=jax.ShapeDtypeStruct((NPAD, HID_CH), jnp.float32),
    )(x_pad, W1, dinv2d)


def _mm2_body(s1_ref, dinv_ref, b1_ref, wcat_ref, a_ref, b_ref):
    dinv = dinv_ref[...]
    h = jnp.maximum(dinv * s1_ref[...] + b1_ref[...], 0.0)
    ab = jnp.dot(h, wcat_ref[...], preferred_element_type=jnp.float32)
    a_ref[...] = ab[:, :OUT_CH] * dinv
    b_ref[...] = ab[:, OUT_CH:]


def _mm2(s1, dinv2d, b1row, Wcat):
    return pl.pallas_call(
        _mm2_body,
        grid=(NPAD // _BLK,),
        in_specs=[
            pl.BlockSpec((_BLK, HID_CH), lambda i: (i, 0)),
            pl.BlockSpec((_BLK, 1), lambda i: (i, 0)),
            pl.BlockSpec((1, HID_CH), lambda i: (0, 0)),
            pl.BlockSpec((HID_CH, 2 * OUT_CH), lambda i: (0, 0)),
        ],
        out_specs=[
            pl.BlockSpec((_BLK, OUT_CH), lambda i: (i, 0)),
            pl.BlockSpec((_BLK, OUT_CH), lambda i: (i, 0)),
        ],
        out_shape=[
            jax.ShapeDtypeStruct((NPAD, OUT_CH), jnp.float32),
            jax.ShapeDtypeStruct((NPAD, OUT_CH), jnp.float32),
        ],
    )(s1, dinv2d, b1row, Wcat)



def kernel(x, edge_index, W1, b1, W2, b2):
    src_pad = edge_index[0].astype(jnp.int32)
    dst_pad = edge_index[1].astype(jnp.int32)
    x_pad = jnp.pad(x, ((0, NPAD - N_NODES), (0, 0)))
    perm = jax.random.permutation(jax.random.key(42), N_NODES)
    perm_pad = jnp.pad(perm.astype(jnp.int32), (0, NPAD - N_NODES))

    zeros_h = jnp.zeros((NPAD,), jnp.float32)
    degp = _deg_call(dst_pad, zeros_h)
    deg = degp.sum(axis=0) + 1.0
    dinv2d = lax.rsqrt(deg)[:, None]

    y1 = _mm1(x_pad, W1, dinv2d)
    z128 = jnp.zeros((NPAD, HID_CH), jnp.float32)
    accp1 = _agg_call_128(y1, z128, src_pad, dst_pad)
    s1 = accp1[0] + accp1[1]

    W2a = W2[:HID_CH]
    Wcat = jnp.concatenate([W2a, W2[HID_CH:] - W2a], axis=1)
    Ap, Bm = _mm2(s1, dinv2d, b1[None, :], Wcat)

    G = _perm_call(Bm, perm_pad)
    y2 = Ap + dinv2d * G
    z64 = jnp.zeros((NPAD, OUT_CH), jnp.float32)
    accp2 = _agg_call_64(y2, z64, src_pad, dst_pad)
    out = dinv2d * (accp2[0] + accp2[1]) + b2[None, :]
    return out[:N_NODES]

# --- scband reference (transcript-rebuilt; emitter-appended) ---
"""Pipeline reference for scband-gcn-hidden-anchored-29643864277064 (READ-ONLY COPY).

The authoritative reference and input builder live on the scoring server;
editing this copy changes nothing except your own understanding.
"""

import jax, jax.numpy as jnp
import numpy as np

N_NODES = 10000
IN_CH = 128
HID_CH = 128
OUT_CH = 64
N_EDGES = 320000


def gcn_conv(x, edge_index, W, b, num_nodes):
    # PyG GCNConv: add self-loops, symmetric normalization, linear, sum-aggregate, bias
    src = edge_index[0]
    dst = edge_index[1]
    loop = jnp.arange(num_nodes, dtype=src.dtype)
    src = jnp.concatenate([src, loop])
    dst = jnp.concatenate([dst, loop])
    xw = x @ W
    deg = jnp.zeros((num_nodes,), dtype=xw.dtype).at[dst].add(1.0)
    dinv = jnp.where(deg > 0, deg ** -0.5, 0.0)
    norm = dinv[src] * dinv[dst]
    msg = xw[src] * norm[:, None]
    out = jnp.zeros((num_nodes, W.shape[1]), dtype=xw.dtype).at[dst].add(msg)
    return out + b


def setup_inputs(seed: int = 0) -> dict:
    key = jax.random.key(seed)
    k1, k2, k3, k4 = jax.random.split(key, 4)
    x = jax.random.normal(k1, (N_NODES, IN_CH), dtype=jnp.float32)
    edge_index = jax.random.randint(k2, (2, N_EDGES), 0, N_NODES)
    W1 = jax.random.normal(k3, (IN_CH, HID_CH), dtype=jnp.float32) * 0.05
    b1 = jnp.zeros((HID_CH,), dtype=jnp.float32)
    W2 = jax.random.normal(k4, (2 * HID_CH, OUT_CH), dtype=jnp.float32) * 0.05
    b2 = jnp.zeros((OUT_CH,), dtype=jnp.float32)
    return {"x": x, "edge_index": edge_index, "W1": W1, "b1": b1, "W2": W2, "b2": b2}


def reference(x, edge_index, W1, b1, W2, b2):
    num_nodes = x.shape[0]
    h = jax.nn.relu(gcn_conv(x, edge_index, W1, b1, num_nodes))
    # dropout=False in init, so no dropout applied
    # torch.randperm -> fixed random permutation (anchoring)
    perm = jax.random.permutation(jax.random.key(42), num_nodes)
    c = h[perm]
    h2 = jnp.concatenate([h - c, c], axis=1)
    out = gcn_conv(h2, edge_index, W2, b2, num_nodes)
    return out

if __name__ == "__main__":
    import jax
    _d = setup_inputs()
    print(jax.jit(kernel)(*tuple(_d.values())))

</pallas_src>

<mosaic_0001>
#map = affine_map<(d0, d1) -> (0)>
#map1 = affine_map<(d0, d1) -> (0, 0)>
module attributes {stable_mosaic.version = 14 : i64} {
  func.func @_deg_body(%arg0: i32, %arg1: i32, %arg2: memref<320000xi32, #tpu.memory_space<hbm>>, %arg3: memref<10240xf32, #tpu.memory_space<hbm>>, %arg4: memref<32x10240xf32, #tpu.memory_space<hbm>>, %arg5: memref<10240xf32, #tpu.memory_space<vmem>>, %arg6: memref<2000xi32, #tpu.memory_space<vmem>>) attributes {dimension_semantics = [#tpu.dimension_semantics<core_parallel>, #tpu.dimension_semantics<subcore_parallel>], iteration_bounds = array<i64: 2, 16>, scalar_prefetch = 0 : i64, scratch_operands = 2 : i64, tpu.core_type = #tpu.core_type<sc_vector_subcore>, window_params = [{transform_indices = #map}, {transform_indices = #map}, {transform_indices = #map1}]} {
    %mul3A = arith.constant 2 : i32
    %mul3A_0 = arith.muli %arg1, %mul3A : i32
    %add3A = arith.addi %mul3A_0, %arg0 : i32
    "tpu.region"() ({
      %run_scoped3A = tpu.sem_alloc : memref<!tpu.dma_semaphore, #tpu.memory_space<semaphore_mem>>
      tpu.enqueue_dma source(%arg3 : memref<10240xf32, #tpu.memory_space<hbm>>) target(%arg5 : memref<10240xf32, #tpu.memory_space<vmem>>) target_semaphore(%run_scoped3A : memref<!tpu.dma_semaphore, #tpu.memory_space<semaphore_mem>>)
      tpu.wait_dma2 semaphore(%run_scoped3A : memref<!tpu.dma_semaphore, #tpu.memory_space<semaphore_mem>>) src(%arg3 : memref<10240xf32, #tpu.memory_space<hbm>>) dst(%arg5 : memref<10240xf32, #tpu.memory_space<vmem>>)
      tpu.yield
    }) : () -> ()
    %mul3A_1 = arith.constant 10000 : i32
    %mul3A_2 = arith.muli %add3A, %mul3A_1 : i32
    %broadcast_in_dim3A = arith.constant 1.000000e+00 : f32
    %broadcast_in_dim3A_3 = vector.broadcast %broadcast_in_dim3A : f32 to vector<16xf32>
    %scan3A = arith.constant 0 : i32
    %scan3A_4 = arith.constant 0 : i32
    %scan3A_5 = arith.constant 5 : i32
    %scan3A_6 = arith.addi %scan3A_4, %scan3A_5 : i32
    %scan3A_7 = arith.constant 1 : i32
    scf.for %scan3A_9 = %scan3A_4 to %scan3A_6 step %scan3A_7  : i32 {
      %mul3A_10 = arith.constant 2000 : i32
      %mul3A_11 = arith.muli %scan3A_9, %mul3A_10 : i32
      %add3A_12 = arith.addi %mul3A_2, %mul3A_11 : i32
      "tpu.region"() ({
        %run_scoped3A = tpu.sem_alloc : memref<!tpu.dma_semaphore, #tpu.memory_space<semaphore_mem>>
        %dma_start3A = tpu.memref_slice %arg2[%add3A_12] : memref<320000xi32, #tpu.memory_space<hbm>> -> memref<2000xi32, #tpu.memory_space<hbm>>
        %dma_start3A_18 = tpu.memref_slice %arg2[%add3A_12] : memref<320000xi32, #tpu.memory_space<hbm>> -> memref<2000xi32, #tpu.memory_space<hbm>>
        tpu.enqueue_dma source(%dma_start3A_18 : memref<2000xi32, #tpu.memory_space<hbm>>) target(%arg6 : memref<2000xi32, #tpu.memory_space<vmem>>) target_semaphore(%run_scoped3A : memref<!tpu.dma_semaphore, #tpu.memory_space<semaphore_mem>>)
        %dma_wait3A = tpu.memref_slice %arg2[%add3A_12] : memref<320000xi32, #tpu.memory_space<hbm>> -> memref<2000xi32, #tpu.memory_space<hbm>>
        %dma_wait3A_19 = tpu.memref_slice %arg2[%add3A_12] : memref<320000xi32, #tpu.memory_space<hbm>> -> memref<2000xi32, #tpu.memory_space<hbm>>
        tpu.wait_dma2 semaphore(%run_scoped3A : memref<!tpu.dma_semaphore, #tpu.memory_space<semaphore_mem>>) src(%dma_wait3A_19 : memref<2000xi32, #tpu.memory_space<hbm>>) dst(%arg6 : memref<2000xi32, #tpu.memory_space<vmem>>)
        tpu.yield
      }) : () -> ()
      %scan3A_13 = arith.constant 0 : i32
      %scan3A_14 = arith.constant 125 : i32
      %scan3A_15 = arith.addi %scan3A_13, %scan3A_14 : i32
      %scan3A_16 = arith.constant 1 : i32
      scf.for %scan3A_18 = %scan3A_13 to %scan3A_15 step %scan3A_16  : i32 {
        %mul3A_19 = arith.constant 16 : i32
        %mul3A_20 = arith.muli %scan3A_18, %mul3A_19 : i32
        %get3A = arith.index_cast %mul3A_20 : i32 to index
        %get3A_21 = tpu.vector_load %arg6[%get3A] {strides = array<i32>} : memref<2000xi32, #tpu.memory_space<vmem>>, vector<16xi32>,
        tpu.vector_store_idx %arg5[%get3A_21], %broadcast_in_dim3A_3 {add = true} : memref<10240xf32, #tpu.memory_space<vmem>>[vector<16xi32>], vector<16xf32>,
      }
      %scan3A_17 = arith.constant 125 : i32
    }
    %scan3A_8 = arith.constant 5 : i32
    "tpu.region"() ({
      %run_scoped3A = tpu.sem_alloc : memref<!tpu.dma_semaphore, #tpu.memory_space<semaphore_mem>>
      %dma_start3A = arith.constant 0 : i32
      %dma_start3A_9 = tpu.memref_slice %arg4[%add3A, %dma_start3A] : memref<32x10240xf32, #tpu.memory_space<hbm>> -> memref<1x10240xf32, #tpu.memory_space<hbm>>
      %dma_start3A_10 = tpu.memref_squeeze %dma_start3A_9 : memref<1x10240xf32, #tpu.memory_space<hbm>> -> memref<10240xf32, #tpu.memory_space<hbm>>
      %dma_start3A_11 = arith.constant 0 : i32
      %dma_start3A_12 = tpu.memref_slice %arg4[%add3A, %dma_start3A_11] : memref<32x10240xf32, #tpu.memory_space<hbm>> -> memref<1x10240xf32, #tpu.memory_space<hbm>>
      %dma_start3A_13 = tpu.memref_squeeze %dma_start3A_12 : memref<1x10240xf32, #tpu.memory_space<hbm>> -> memref<10240xf32, #tpu.memory_space<hbm>>
      tpu.enqueue_dma source(%arg5 : memref<10240xf32, #tpu.memory_space<vmem>>) target(%dma_start3A_13 : memref<10240xf32, #tpu.memory_space<hbm>>) target_semaphore(%run_scoped3A : memref<!tpu.dma_semaphore, #tpu.memory_space<semaphore_mem>>)
      %dma_wait3A = arith.constant 0 : i32
      %dma_wait3A_14 = tpu.memref_slice %arg4[%add3A, %dma_wait3A] : memref<32x10240xf32, #tpu.memory_space<hbm>> -> memref<1x10240xf32, #tpu.memory_space<hbm>>
      %dma_wait3A_15 = tpu.memref_squeeze %dma_wait3A_14 : memref<1x10240xf32, #tpu.memory_space<hbm>> -> memref<10240xf32, #tpu.memory_space<hbm>>
      %dma_wait3A_16 = arith.constant 0 : i32
      %dma_wait3A_17 = tpu.memref_slice %arg4[%add3A, %dma_wait3A_16] : memref<32x10240xf32, #tpu.memory_space<hbm>> -> memref<1x10240xf32, #tpu.memory_space<hbm>>
      %dma_wait3A_18 = tpu.memref_squeeze %dma_wait3A_17 : memref<1x10240xf32, #tpu.memory_space<hbm>> -> memref<10240xf32, #tpu.memory_space<hbm>>
      tpu.wait_dma2 semaphore(%run_scoped3A : memref<!tpu.dma_semaphore, #tpu.memory_space<semaphore_mem>>) src(%arg5 : memref<10240xf32, #tpu.memory_space<vmem>>) dst(%dma_wait3A_18 : memref<10240xf32, #tpu.memory_space<hbm>>)
      tpu.yield
    }) : () -> ()
    return
  }
}

#map = affine_map<(d0, d1) -> (0, 0)>
#map1 = affine_map<(d0, d1) -> (0)>
#map2 = affine_map<(d0, d1) -> (0, 0, 0)>
module attributes {stable_mosaic.version = 14 : i64} {
  func.func @_agg_body(%arg0: i32, %arg1: i32, %arg2: memref<10240x128xf32, #tpu.memory_space<hbm>>, %arg3: memref<10240x128xf32, #tpu.memory_space<hbm>>, %arg4: memref<320000xi32, #tpu.memory_space<hbm>>, %arg5: memref<320000xi32, #tpu.memory_space<hbm>>, %arg6: memref<2x10240x128xf32, #tpu.memory_space<hbm>>, %arg7: memref<10240x128xf32, #tpu.memory_space<vmem_shared>>, %arg8: memref<80xi32, #tpu.memory_space<vmem>>, %arg9: memref<80xi32, #tpu.memory_space<vmem>>, %arg10: memref<80x128xf32, #tpu.memory_space<vmem>>, %arg11: memref<!tpu.dma_semaphore, #tpu.memory_space<semaphore_mem>>) attributes {dimension_semantics = [#tpu.dimension_semantics<core_parallel>, #tpu.dimension_semantics<subcore_parallel>], iteration_bounds = array<i64: 2, 16>, scalar_prefetch = 0 : i64, scratch_operands = 5 : i64, tpu.core_type = #tpu.core_type<sc_vector_subcore>, window_params = [{transform_indices = #map}, {transform_indices = #map}, {transform_indices = #map1}, {transform_indices = #map1}, {transform_indices = #map2}]} {
    %mul3A = arith.constant 2 : i32
    %mul3A_0 = arith.muli %arg1, %mul3A : i32
    %add3A = arith.addi %mul3A_0, %arg0 : i32
    %mul3A_1 = arith.constant 640 : i32
    %mul3A_2 = arith.muli %arg1, %mul3A_1 : i32
    %eq3A = arith.constant 0 : i32
    %eq3A_3 = arith.cmpi eq, %arg0, %eq3A : i32
    %convert_element_type3A = arith.extui %eq3A_3 : i1 to i32
    %cond3A = arith.constant 0 : i32
    %cond3A_4 = arith.cmpi ne, %convert_element_type3A, %cond3A : i32
    scf.if %cond3A_4 {
      "tpu.region"() ({
        %run_scoped3A = tpu.sem_alloc : memref<!tpu.dma_semaphore, #tpu.memory_space<semaphore_mem>>
        %dma_start3A = arith.constant 0 : i32
        %dma_start3A_17 = tpu.memref_slice %arg7[%mul3A_2, %dma_start3A] : memref<10240x128xf32, #tpu.memory_space<vmem_shared>> -> memref<640x128xf32, #tpu.memory_space<vmem_shared>>
        %dma_start3A_18 = arith.constant 0 : i32
        %dma_start3A_19 = tpu.memref_slice %arg2[%mul3A_2, %dma_start3A_18] : memref<10240x128xf32, #tpu.memory_space<hbm>> -> memref<640x128xf32, #tpu.memory_space<hbm>>
        tpu.enqueue_dma source(%dma_start3A_19 : memref<640x128xf32, #tpu.memory_space<hbm>>) target(%dma_start3A_17 : memref<640x128xf32, #tpu.memory_space<vmem_shared>>) target_semaphore(%run_scoped3A : memref<!tpu.dma_semaphore, #tpu.memory_space<semaphore_mem>>)
        %dma_wait3A = arith.constant 0 : i32
        %dma_wait3A_20 = tpu.memref_slice %arg7[%mul3A_2, %dma_wait3A] : memref<10240x128xf32, #tpu.memory_space<vmem_shared>> -> memref<640x128xf32, #tpu.memory_space<vmem_shared>>
        %dma_wait3A_21 = arith.constant 0 : i32
        %dma_wait3A_22 = tpu.memref_slice %arg2[%mul3A_2, %dma_wait3A_21] : memref<10240x128xf32, #tpu.memory_space<hbm>> -> memref<640x128xf32, #tpu.memory_space<hbm>>
        tpu.wait_dma2 semaphore(%run_scoped3A : memref<!tpu.dma_semaphore, #tpu.memory_space<semaphore_mem>>) src(%dma_wait3A_22 : memref<640x128xf32, #tpu.memory_space<hbm>>) dst(%dma_wait3A_20 : memref<640x128xf32, #tpu.memory_space<vmem_shared>>)
        tpu.yield
      }) : () -> ()
    } else {
    }
    %ne3A = arith.constant 0 : i32
    %ne3A_5 = arith.cmpi ne, %arg0, %ne3A : i32
    %convert_element_type3A_6 = arith.extui %ne3A_5 : i1 to i32
    %cond3A_7 = arith.constant 0 : i32
    %cond3A_8 = arith.cmpi ne, %convert_element_type3A_6, %cond3A_7 : i32
    scf.if %cond3A_8 {
      "tpu.region"() ({
        %run_scoped3A = tpu.sem_alloc : memref<!tpu.dma_semaphore, #tpu.memory_space<semaphore_mem>>
        %dma_start3A = arith.constant 0 : i32
        %dma_start3A_17 = tpu.memref_slice %arg7[%mul3A_2, %dma_start3A] : memref<10240x128xf32, #tpu.memory_space<vmem_shared>> -> memref<640x128xf32, #tpu.memory_space<vmem_shared>>
        %dma_start3A_18 = arith.constant 0 : i32
        %dma_start3A_19 = tpu.memref_slice %arg3[%mul3A_2, %dma_start3A_18] : memref<10240x128xf32, #tpu.memory_space<hbm>> -> memref<640x128xf32, #tpu.memory_space<hbm>>
        tpu.enqueue_dma source(%dma_start3A_19 : memref<640x128xf32, #tpu.memory_space<hbm>>) target(%dma_start3A_17 : memref<640x128xf32, #tpu.memory_space<vmem_shared>>) target_semaphore(%run_scoped3A : memref<!tpu.dma_semaphore, #tpu.memory_space<semaphore_mem>>)
        %dma_wait3A = arith.constant 0 : i32
        %dma_wait3A_20 = tpu.memref_slice %arg7[%mul3A_2, %dma_wait3A] : memref<10240x128xf32, #tpu.memory_space<vmem_shared>> -> memref<640x128xf32, #tpu.memory_space<vmem_shared>>
        %dma_wait3A_21 = arith.constant 0 : i32
        %dma_wait3A_22 = tpu.memref_slice %arg3[%mul3A_2, %dma_wait3A_21] : memref<10240x128xf32, #tpu.memory_space<hbm>> -> memref<640x128xf32, #tpu.memory_space<hbm>>
        tpu.wait_dma2 semaphore(%run_scoped3A : memref<!tpu.dma_semaphore, #tpu.memory_space<semaphore_mem>>) src(%dma_wait3A_22 : memref<640x128xf32, #tpu.memory_space<hbm>>) dst(%dma_wait3A_20 : memref<640x128xf32, #tpu.memory_space<vmem_shared>>)
        tpu.yield
      }) : () -> ()
    } else {
    }
    %barrier3A = arith.constant 0 : index
    tpu.barrier barrier_id(%barrier3A)
    %mul3A_9 = arith.constant 10000 : i32
    %mul3A_10 = arith.muli %add3A, %mul3A_9 : i32
    %scan3A = arith.constant 0 : i32
    %scan3A_11 = arith.constant 0 : i32
    %scan3A_12 = arith.constant 125 : i32
    %scan3A_13 = arith.addi %scan3A_11, %scan3A_12 : i32
    %scan3A_14 = arith.constant 1 : i32
    scf.for %scan3A_17 = %scan3A_11 to %scan3A_13 step %scan3A_14  : i32 {
      %mul3A_18 = arith.constant 80 : i32
      %mul3A_19 = arith.muli %scan3A_17, %mul3A_18 : i32
      %add3A_20 = arith.addi %mul3A_10, %mul3A_19 : i32
      "tpu.region"() ({
        %run_scoped3A = tpu.sem_alloc : memref<!tpu.dma_semaphore, #tpu.memory_space<semaphore_mem>>
        %dma_start3A_25 = tpu.memref_slice %arg4[%add3A_20] : memref<320000xi32, #tpu.memory_space<hbm>> -> memref<80xi32, #tpu.memory_space<hbm>>
        %dma_start3A_26 = tpu.memref_slice %arg4[%add3A_20] : memref<320000xi32, #tpu.memory_space<hbm>> -> memref<80xi32, #tpu.memory_space<hbm>>
        tpu.enqueue_dma source(%dma_start3A_26 : memref<80xi32, #tpu.memory_space<hbm>>) target(%arg8 : memref<80xi32, #tpu.memory_space<vmem>>) target_semaphore(%run_scoped3A : memref<!tpu.dma_semaphore, #tpu.memory_space<semaphore_mem>>)
        %dma_wait3A_27 = tpu.memref_slice %arg4[%add3A_20] : memref<320000xi32, #tpu.memory_space<hbm>> -> memref<80xi32, #tpu.memory_space<hbm>>
        %dma_wait3A_28 = tpu.memref_slice %arg4[%add3A_20] : memref<320000xi32, #tpu.memory_space<hbm>> -> memref<80xi32, #tpu.memory_space<hbm>>
        tpu.wait_dma2 semaphore(%run_scoped3A : memref<!tpu.dma_semaphore, #tpu.memory_space<semaphore_mem>>) src(%dma_wait3A_28 : memref<80xi32, #tpu.memory_space<hbm>>) dst(%arg8 : memref<80xi32, #tpu.memory_space<vmem>>)
        tpu.yield
      }) : () -> ()
      "tpu.region"() ({
        %run_scoped3A = tpu.sem_alloc : memref<!tpu.dma_semaphore, #tpu.memory_space<semaphore_mem>>
        %dma_start3A_25 = tpu.memref_slice %arg5[%add3A_20] : memref<320000xi32, #tpu.memory_space<hbm>> -> memref<80xi32, #tpu.memory_space<hbm>>
        %dma_start3A_26 = tpu.memref_slice %arg5[%add3A_20] : memref<320000xi32, #tpu.memory_space<hbm>> -> memref<80xi32, #tpu.memory_space<hbm>>
        tpu.enqueue_dma source(%dma_start3A_26 : memref<80xi32, #tpu.memory_space<hbm>>) target(%arg9 : memref<80xi32, #tpu.memory_space<vmem>>) target_semaphore(%run_scoped3A : memref<!tpu.dma_semaphore, #tpu.memory_space<semaphore_mem>>)
        %dma_wait3A_27 = tpu.memref_slice %arg5[%add3A_20] : memref<320000xi32, #tpu.memory_space<hbm>> -> memref<80xi32, #tpu.memory_space<hbm>>
        %dma_wait3A_28 = tpu.memref_slice %arg5[%add3A_20] : memref<320000xi32, #tpu.memory_space<hbm>> -> memref<80xi32, #tpu.memory_space<hbm>>
        tpu.wait_dma2 semaphore(%run_scoped3A : memref<!tpu.dma_semaphore, #tpu.memory_space<semaphore_mem>>) src(%dma_wait3A_28 : memref<80xi32, #tpu.memory_space<hbm>>) dst(%arg9 : memref<80xi32, #tpu.memory_space<vmem>>)
        tpu.yield
      }) : () -> ()
      %dma_start3A = arith.constant 0 : i32
      %dma_start3A_21 = arith.constant 0 : i32
      %dma_start3A_22 = tpu.memref_slice %arg2[%dma_start3A, %dma_start3A_21] : memref<10240x128xf32, #tpu.memory_space<hbm>> -> memref<10240x128xf32, #tpu.memory_space<hbm>>
      tpu.enqueue_indirect_dma source(%dma_start3A_22 : memref<10240x128xf32, #tpu.memory_space<hbm>>) target(%arg10 : memref<80x128xf32, #tpu.memory_space<vmem>>) offsets(%arg8 : memref<80xi32, #tpu.memory_space<vmem>>) semaphore(%arg11 : memref<!tpu.dma_semaphore, #tpu.memory_space<semaphore_mem>>)
      %dma_wait3A = arith.constant 0 : i32
      %dma_wait3A_23 = arith.constant 0 : i32
      %dma_wait3A_24 = tpu.memref_slice %arg2[%dma_wait3A, %dma_wait3A_23] : memref<10240x128xf32, #tpu.memory_space<hbm>> -> memref<10240x128xf32, #tpu.memory_space<hbm>>
      tpu.wait_indirect_dma semaphore(%arg11 : memref<!tpu.dma_semaphore, #tpu.memory_space<semaphore_mem>>) src(%dma_wait3A_24 : memref<10240x128xf32, #tpu.memory_space<hbm>>) dst(%arg10 : memref<80x128xf32, #tpu.memory_space<vmem>>)
      "tpu.region"() ({
        %run_scoped3A = tpu.sem_alloc : memref<!tpu.dma_semaphore, #tpu.memory_space<semaphore_mem>>
        %dma_start3A_25 = arith.constant 0 : i32
        %dma_start3A_26 = arith.constant 0 : i32
        %dma_start3A_27 = tpu.memref_slice %arg7[%dma_start3A_25, %dma_start3A_26] : memref<10240x128xf32, #tpu.memory_space<vmem_shared>> -> memref<10240x128xf32, #tpu.memory_space<vmem_shared>>
        tpu.enqueue_indirect_dma source(%arg10 : memref<80x128xf32, #tpu.memory_space<vmem>>) target(%dma_start3A_27 : memref<10240x128xf32, #tpu.memory_space<vmem_shared>>) offsets(%arg9 : memref<80xi32, #tpu.memory_space<vmem>>) semaphore(%run_scoped3A : memref<!tpu.dma_semaphore, #tpu.memory_space<semaphore_mem>>) {add = true}
        %dma_wait3A_28 = arith.constant 0 : i32
        %dma_wait3A_29 = arith.constant 0 : i32
        %dma_wait3A_30 = tpu.memref_slice %arg7[%dma_wait3A_28, %dma_wait3A_29] : memref<10240x128xf32, #tpu.memory_space<vmem_shared>> -> memref<10240x128xf32, #tpu.memory_space<vmem_shared>>
        tpu.wait_indirect_dma semaphore(%run_scoped3A : memref<!tpu.dma_semaphore, #tpu.memory_space<semaphore_mem>>) src(%arg10 : memref<80x128xf32, #tpu.memory_space<vmem>>) dst(%dma_wait3A_30 : memref<10240x128xf32, #tpu.memory_space<vmem_shared>>)
        tpu.yield
      }) : () -> ()
    }
    %scan3A_15 = arith.constant 125 : i32
    %barrier3A_16 = arith.constant 0 : index
    tpu.barrier barrier_id(%barrier3A_16)
    "tpu.region"() ({
      %run_scoped3A = tpu.sem_alloc : memref<!tpu.dma_semaphore, #tpu.memory_space<semaphore_mem>>
      %dma_start3A = arith.constant 0 : i32
      %dma_start3A_17 = tpu.memref_slice %arg6[%arg0, %mul3A_2, %dma_start3A] : memref<2x10240x128xf32, #tpu.memory_space<hbm>> -> memref<1x640x128xf32, #tpu.memory_space<hbm>>
      %dma_start3A_18 = tpu.memref_squeeze %dma_start3A_17 : memref<1x640x128xf32, #tpu.memory_space<hbm>> -> memref<640x128xf32, #tpu.memory_space<hbm>>
      %dma_start3A_19 = arith.constant 0 : i32
      %dma_start3A_20 = tpu.memref_slice %arg7[%mul3A_2, %dma_start3A_19] : memref<10240x128xf32, #tpu.memory_space<vmem_shared>> -> memref<640x128xf32, #tpu.memory_space<vmem_shared>>
      tpu.enqueue_dma source(%dma_start3A_20 : memref<640x128xf32, #tpu.memory_space<vmem_shared>>) target(%dma_start3A_18 : memref<640x128xf32, #tpu.memory_space<hbm>>) target_semaphore(%run_scoped3A : memref<!tpu.dma_semaphore, #tpu.memory_space<semaphore_mem>>)
      %dma_wait3A = arith.constant 0 : i32
      %dma_wait3A_21 = tpu.memref_slice %arg6[%arg0, %mul3A_2, %dma_wait3A] : memref<2x10240x128xf32, #tpu.memory_space<hbm>> -> memref<1x640x128xf32, #tpu.memory_space<hbm>>
      %dma_wait3A_22 = tpu.memref_squeeze %dma_wait3A_21 : memref<1x640x128xf32, #tpu.memory_space<hbm>> -> memref<640x128xf32, #tpu.memory_space<hbm>>
      %dma_wait3A_23 = arith.constant 0 : i32
      %dma_wait3A_24 = tpu.memref_slice %arg7[%mul3A_2, %dma_wait3A_23] : memref<10240x128xf32, #tpu.memory_space<vmem_shared>> -> memref<640x128xf32, #tpu.memory_space<vmem_shared>>
      tpu.wait_dma2 semaphore(%run_scoped3A : memref<!tpu.dma_semaphore, #tpu.memory_space<semaphore_mem>>) src(%dma_wait3A_24 : memref<640x128xf32, #tpu.memory_space<vmem_shared>>) dst(%dma_wait3A_22 : memref<640x128xf32, #tpu.memory_space<hbm>>)
      tpu.yield
    }) : () -> ()
    return
  }
}

#map = affine_map<(d0, d1) -> (0, 0)>
#map1 = affine_map<(d0, d1) -> (0)>
module attributes {stable_mosaic.version = 14 : i64} {
  func.func @_perm_body(%arg0: i32, %arg1: i32, %arg2: memref<10240x64xf32, #tpu.memory_space<hbm>>, %arg3: memref<10240xi32, #tpu.memory_space<hbm>>, %arg4: memref<10240x64xf32, #tpu.memory_space<hbm>>, %arg5: memref<80xi32, #tpu.memory_space<vmem>>, %arg6: memref<80x64xf32, #tpu.memory_space<vmem>>, %arg7: memref<!tpu.dma_semaphore, #tpu.memory_space<semaphore_mem>>) attributes {dimension_semantics = [#tpu.dimension_semantics<core_parallel>, #tpu.dimension_semantics<subcore_parallel>], iteration_bounds = array<i64: 2, 16>, scalar_prefetch = 0 : i64, scratch_operands = 3 : i64, tpu.core_type = #tpu.core_type<sc_vector_subcore>, window_params = [{transform_indices = #map}, {transform_indices = #map1}, {transform_indices = #map}]} {
    %mul3A = arith.constant 2 : i32
    %mul3A_0 = arith.muli %arg1, %mul3A : i32
    %add3A = arith.addi %mul3A_0, %arg0 : i32
    %mul3A_1 = arith.constant 320 : i32
    %mul3A_2 = arith.muli %add3A, %mul3A_1 : i32
    %scan3A = arith.constant 0 : i32
    %scan3A_3 = arith.constant 0 : i32
    %scan3A_4 = arith.constant 4 : i32
    %scan3A_5 = arith.addi %scan3A_3, %scan3A_4 : i32
    %scan3A_6 = arith.constant 1 : i32
    scf.for %scan3A_8 = %scan3A_3 to %scan3A_5 step %scan3A_6  : i32 {
      %mul3A_9 = arith.constant 80 : i32
      %mul3A_10 = arith.muli %scan3A_8, %mul3A_9 : i32
      %add3A_11 = arith.addi %mul3A_2, %mul3A_10 : i32
      "tpu.region"() ({
        %run_scoped3A = tpu.sem_alloc : memref<!tpu.dma_semaphore, #tpu.memory_space<semaphore_mem>>
        %dma_start3A_16 = tpu.memref_slice %arg3[%add3A_11] : memref<10240xi32, #tpu.memory_space<hbm>> -> memref<80xi32, #tpu.memory_space<hbm>>
        %dma_start3A_17 = tpu.memref_slice %arg3[%add3A_11] : memref<10240xi32, #tpu.memory_space<hbm>> -> memref<80xi32, #tpu.memory_space<hbm>>
        tpu.enqueue_dma source(%dma_start3A_17 : memref<80xi32, #tpu.memory_space<hbm>>) target(%arg5 : memref<80xi32, #tpu.memory_space<vmem>>) target_semaphore(%run_scoped3A : memref<!tpu.dma_semaphore, #tpu.memory_space<semaphore_mem>>)
        %dma_wait3A_18 = tpu.memref_slice %arg3[%add3A_11] : memref<10240xi32, #tpu.memory_space<hbm>> -> memref<80xi32, #tpu.memory_space<hbm>>
        %dma_wait3A_19 = tpu.memref_slice %arg3[%add3A_11] : memref<10240xi32, #tpu.memory_space<hbm>> -> memref<80xi32, #tpu.memory_space<hbm>>
        tpu.wait_dma2 semaphore(%run_scoped3A : memref<!tpu.dma_semaphore, #tpu.memory_space<semaphore_mem>>) src(%dma_wait3A_19 : memref<80xi32, #tpu.memory_space<hbm>>) dst(%arg5 : memref<80xi32, #tpu.memory_space<vmem>>)
        tpu.yield
      }) : () -> ()
      %dma_start3A = arith.constant 0 : i32
      %dma_start3A_12 = arith.constant 0 : i32
      %dma_start3A_13 = tpu.memref_slice %arg2[%dma_start3A, %dma_start3A_12] : memref<10240x64xf32, #tpu.memory_space<hbm>> -> memref<10240x64xf32, #tpu.memory_space<hbm>>
      tpu.enqueue_indirect_dma source(%dma_start3A_13 : memref<10240x64xf32, #tpu.memory_space<hbm>>) target(%arg6 : memref<80x64xf32, #tpu.memory_space<vmem>>) offsets(%arg5 : memref<80xi32, #tpu.memory_space<vmem>>) semaphore(%arg7 : memref<!tpu.dma_semaphore, #tpu.memory_space<semaphore_mem>>)
      %dma_wait3A = arith.constant 0 : i32
      %dma_wait3A_14 = arith.constant 0 : i32
      %dma_wait3A_15 = tpu.memref_slice %arg2[%dma_wait3A, %dma_wait3A_14] : memref<10240x64xf32, #tpu.memory_space<hbm>> -> memref<10240x64xf32, #tpu.memory_space<hbm>>
      tpu.wait_indirect_dma semaphore(%arg7 : memref<!tpu.dma_semaphore, #tpu.memory_space<semaphore_mem>>) src(%dma_wait3A_15 : memref<10240x64xf32, #tpu.memory_space<hbm>>) dst(%arg6 : memref<80x64xf32, #tpu.memory_space<vmem>>)
      "tpu.region"() ({
        %run_scoped3A = tpu.sem_alloc : memref<!tpu.dma_semaphore, #tpu.memory_space<semaphore_mem>>
        %dma_start3A_16 = arith.constant 0 : i32
        %dma_start3A_17 = tpu.memref_slice %arg4[%add3A_11, %dma_start3A_16] : memref<10240x64xf32, #tpu.memory_space<hbm>> -> memref<80x64xf32, #tpu.memory_space<hbm>>
        %dma_start3A_18 = arith.constant 0 : i32
        %dma_start3A_19 = tpu.memref_slice %arg4[%add3A_11, %dma_start3A_18] : memref<10240x64xf32, #tpu.memory_space<hbm>> -> memref<80x64xf32, #tpu.memory_space<hbm>>
        tpu.enqueue_dma source(%arg6 : memref<80x64xf32, #tpu.memory_space<vmem>>) target(%dma_start3A_19 : memref<80x64xf32, #tpu.memory_space<hbm>>) target_semaphore(%run_scoped3A : memref<!tpu.dma_semaphore, #tpu.memory_space<semaphore_mem>>)
        %dma_wait3A_20 = arith.constant 0 : i32
        %dma_wait3A_21 = tpu.memref_slice %arg4[%add3A_11, %dma_wait3A_20] : memref<10240x64xf32, #tpu.memory_space<hbm>> -> memref<80x64xf32, #tpu.memory_space<hbm>>
        %dma_wait3A_22 = arith.constant 0 : i32
        %dma_wait3A_23 = tpu.memref_slice %arg4[%add3A_11, %dma_wait3A_22] : memref<10240x64xf32, #tpu.memory_space<hbm>> -> memref<80x64xf32, #tpu.memory_space<hbm>>
        tpu.wait_dma2 semaphore(%run_scoped3A : memref<!tpu.dma_semaphore, #tpu.memory_space<semaphore_mem>>) src(%arg6 : memref<80x64xf32, #tpu.memory_space<vmem>>) dst(%dma_wait3A_23 : memref<80x64xf32, #tpu.memory_space<hbm>>)
        tpu.yield
      }) : () -> ()
    }
    %scan3A_7 = arith.constant 4 : i32
    return
  }
}

#map = affine_map<(d0, d1) -> (0, 0)>
#map1 = affine_map<(d0, d1) -> (0)>
#map2 = affine_map<(d0, d1) -> (0, 0, 0)>
module attributes {stable_mosaic.version = 14 : i64} {
  func.func @_agg_body(%arg0: i32, %arg1: i32, %arg2: memref<10240x64xf32, #tpu.memory_space<hbm>>, %arg3: memref<10240x64xf32, #tpu.memory_space<hbm>>, %arg4: memref<320000xi32, #tpu.memory_space<hbm>>, %arg5: memref<320000xi32, #tpu.memory_space<hbm>>, %arg6: memref<2x10240x64xf32, #tpu.memory_space<hbm>>, %arg7: memref<10240x64xf32, #tpu.memory_space<vmem_shared>>, %arg8: memref<80xi32, #tpu.memory_space<vmem>>, %arg9: memref<80xi32, #tpu.memory_space<vmem>>, %arg10: memref<80x64xf32, #tpu.memory_space<vmem>>, %arg11: memref<!tpu.dma_semaphore, #tpu.memory_space<semaphore_mem>>) attributes {dimension_semantics = [#tpu.dimension_semantics<core_parallel>, #tpu.dimension_semantics<subcore_parallel>], iteration_bounds = array<i64: 2, 16>, scalar_prefetch = 0 : i64, scratch_operands = 5 : i64, tpu.core_type = #tpu.core_type<sc_vector_subcore>, window_params = [{transform_indices = #map}, {transform_indices = #map}, {transform_indices = #map1}, {transform_indices = #map1}, {transform_indices = #map2}]} {
    %mul3A = arith.constant 2 : i32
    %mul3A_0 = arith.muli %arg1, %mul3A : i32
    %add3A = arith.addi %mul3A_0, %arg0 : i32
    %mul3A_1 = arith.constant 640 : i32
    %mul3A_2 = arith.muli %arg1, %mul3A_1 : i32
    %eq3A = arith.constant 0 : i32
    %eq3A_3 = arith.cmpi eq, %arg0, %eq3A : i32
    %convert_element_type3A = arith.extui %eq3A_3 : i1 to i32
    %cond3A = arith.constant 0 : i32
    %cond3A_4 = arith.cmpi ne, %convert_element_type3A, %cond3A : i32
    scf.if %cond3A_4 {
      "tpu.region"() ({
        %run_scoped3A = tpu.sem_alloc : memref<!tpu.dma_semaphore, #tpu.memory_space<semaphore_mem>>
        %dma_start3A = arith.constant 0 : i32
        %dma_start3A_17 = tpu.memref_slice %arg7[%mul3A_2, %dma_start3A] : memref<10240x64xf32, #tpu.memory_space<vmem_shared>> -> memref<640x64xf32, #tpu.memory_space<vmem_shared>>
        %dma_start3A_18 = arith.constant 0 : i32
        %dma_start3A_19 = tpu.memref_slice %arg2[%mul3A_2, %dma_start3A_18] : memref<10240x64xf32, #tpu.memory_space<hbm>> -> memref<640x64xf32, #tpu.memory_space<hbm>>
        tpu.enqueue_dma source(%dma_start3A_19 : memref<640x64xf32, #tpu.memory_space<hbm>>) target(%dma_start3A_17 : memref<640x64xf32, #tpu.memory_space<vmem_shared>>) target_semaphore(%run_scoped3A : memref<!tpu.dma_semaphore, #tpu.memory_space<semaphore_mem>>)
        %dma_wait3A = arith.constant 0 : i32
        %dma_wait3A_20 = tpu.memref_slice %arg7[%mul3A_2, %dma_wait3A] : memref<10240x64xf32, #tpu.memory_space<vmem_shared>> -> memref<640x64xf32, #tpu.memory_space<vmem_shared>>
        %dma_wait3A_21 = arith.constant 0 : i32
        %dma_wait3A_22 = tpu.memref_slice %arg2[%mul3A_2, %dma_wait3A_21] : memref<10240x64xf32, #tpu.memory_space<hbm>> -> memref<640x64xf32, #tpu.memory_space<hbm>>
        tpu.wait_dma2 semaphore(%run_scoped3A : memref<!tpu.dma_semaphore, #tpu.memory_space<semaphore_mem>>) src(%dma_wait3A_22 : memref<640x64xf32, #tpu.memory_space<hbm>>) dst(%dma_wait3A_20 : memref<640x64xf32, #tpu.memory_space<vmem_shared>>)
        tpu.yield
      }) : () -> ()
    } else {
    }
    %ne3A = arith.constant 0 : i32
    %ne3A_5 = arith.cmpi ne, %arg0, %ne3A : i32
    %convert_element_type3A_6 = arith.extui %ne3A_5 : i1 to i32
    %cond3A_7 = arith.constant 0 : i32
    %cond3A_8 = arith.cmpi ne, %convert_element_type3A_6, %cond3A_7 : i32
    scf.if %cond3A_8 {
      "tpu.region"() ({
        %run_scoped3A = tpu.sem_alloc : memref<!tpu.dma_semaphore, #tpu.memory_space<semaphore_mem>>
        %dma_start3A = arith.constant 0 : i32
        %dma_start3A_17 = tpu.memref_slice %arg7[%mul3A_2, %dma_start3A] : memref<10240x64xf32, #tpu.memory_space<vmem_shared>> -> memref<640x64xf32, #tpu.memory_space<vmem_shared>>
        %dma_start3A_18 = arith.constant 0 : i32
        %dma_start3A_19 = tpu.memref_slice %arg3[%mul3A_2, %dma_start3A_18] : memref<10240x64xf32, #tpu.memory_space<hbm>> -> memref<640x64xf32, #tpu.memory_space<hbm>>
        tpu.enqueue_dma source(%dma_start3A_19 : memref<640x64xf32, #tpu.memory_space<hbm>>) target(%dma_start3A_17 : memref<640x64xf32, #tpu.memory_space<vmem_shared>>) target_semaphore(%run_scoped3A : memref<!tpu.dma_semaphore, #tpu.memory_space<semaphore_mem>>)
        %dma_wait3A = arith.constant 0 : i32
        %dma_wait3A_20 = tpu.memref_slice %arg7[%mul3A_2, %dma_wait3A] : memref<10240x64xf32, #tpu.memory_space<vmem_shared>> -> memref<640x64xf32, #tpu.memory_space<vmem_shared>>
        %dma_wait3A_21 = arith.constant 0 : i32
        %dma_wait3A_22 = tpu.memref_slice %arg3[%mul3A_2, %dma_wait3A_21] : memref<10240x64xf32, #tpu.memory_space<hbm>> -> memref<640x64xf32, #tpu.memory_space<hbm>>
        tpu.wait_dma2 semaphore(%run_scoped3A : memref<!tpu.dma_semaphore, #tpu.memory_space<semaphore_mem>>) src(%dma_wait3A_22 : memref<640x64xf32, #tpu.memory_space<hbm>>) dst(%dma_wait3A_20 : memref<640x64xf32, #tpu.memory_space<vmem_shared>>)
        tpu.yield
      }) : () -> ()
    } else {
    }
    %barrier3A = arith.constant 0 : index
    tpu.barrier barrier_id(%barrier3A)
    %mul3A_9 = arith.constant 10000 : i32
    %mul3A_10 = arith.muli %add3A, %mul3A_9 : i32
    %scan3A = arith.constant 0 : i32
    %scan3A_11 = arith.constant 0 : i32
    %scan3A_12 = arith.constant 125 : i32
    %scan3A_13 = arith.addi %scan3A_11, %scan3A_12 : i32
    %scan3A_14 = arith.constant 1 : i32
    scf.for %scan3A_17 = %scan3A_11 to %scan3A_13 step %scan3A_14  : i32 {
      %mul3A_18 = arith.constant 80 : i32
      %mul3A_19 = arith.muli %scan3A_17, %mul3A_18 : i32
      %add3A_20 = arith.addi %mul3A_10, %mul3A_19 : i32
      "tpu.region"() ({
        %run_scoped3A = tpu.sem_alloc : memref<!tpu.dma_semaphore, #tpu.memory_space<semaphore_mem>>
        %dma_start3A_25 = tpu.memref_slice %arg4[%add3A_20] : memref<320000xi32, #tpu.memory_space<hbm>> -> memref<80xi32, #tpu.memory_space<hbm>>
        %dma_start3A_26 = tpu.memref_slice %arg4[%add3A_20] : memref<320000xi32, #tpu.memory_space<hbm>> -> memref<80xi32, #tpu.memory_space<hbm>>
        tpu.enqueue_dma source(%dma_start3A_26 : memref<80xi32, #tpu.memory_space<hbm>>) target(%arg8 : memref<80xi32, #tpu.memory_space<vmem>>) target_semaphore(%run_scoped3A : memref<!tpu.dma_semaphore, #tpu.memory_space<semaphore_mem>>)
        %dma_wait3A_27 = tpu.memref_slice %arg4[%add3A_20] : memref<320000xi32, #tpu.memory_space<hbm>> -> memref<80xi32, #tpu.memory_space<hbm>>
        %dma_wait3A_28 = tpu.memref_slice %arg4[%add3A_20] : memref<320000xi32, #tpu.memory_space<hbm>> -> memref<80xi32, #tpu.memory_space<hbm>>
        tpu.wait_dma2 semaphore(%run_scoped3A : memref<!tpu.dma_semaphore, #tpu.memory_space<semaphore_mem>>) src(%dma_wait3A_28 : memref<80xi32, #tpu.memory_space<hbm>>) dst(%arg8 : memref<80xi32, #tpu.memory_space<vmem>>)
        tpu.yield
      }) : () -> ()
      "tpu.region"() ({
        %run_scoped3A = tpu.sem_alloc : memref<!tpu.dma_semaphore, #tpu.memory_space<semaphore_mem>>
        %dma_start3A_25 = tpu.memref_slice %arg5[%add3A_20] : memref<320000xi32, #tpu.memory_space<hbm>> -> memref<80xi32, #tpu.memory_space<hbm>>
        %dma_start3A_26 = tpu.memref_slice %arg5[%add3A_20] : memref<320000xi32, #tpu.memory_space<hbm>> -> memref<80xi32, #tpu.memory_space<hbm>>
        tpu.enqueue_dma source(%dma_start3A_26 : memref<80xi32, #tpu.memory_space<hbm>>) target(%arg9 : memref<80xi32, #tpu.memory_space<vmem>>) target_semaphore(%run_scoped3A : memref<!tpu.dma_semaphore, #tpu.memory_space<semaphore_mem>>)
        %dma_wait3A_27 = tpu.memref_slice %arg5[%add3A_20] : memref<320000xi32, #tpu.memory_space<hbm>> -> memref<80xi32, #tpu.memory_space<hbm>>
        %dma_wait3A_28 = tpu.memref_slice %arg5[%add3A_20] : memref<320000xi32, #tpu.memory_space<hbm>> -> memref<80xi32, #tpu.memory_space<hbm>>
        tpu.wait_dma2 semaphore(%run_scoped3A : memref<!tpu.dma_semaphore, #tpu.memory_space<semaphore_mem>>) src(%dma_wait3A_28 : memref<80xi32, #tpu.memory_space<hbm>>) dst(%arg9 : memref<80xi32, #tpu.memory_space<vmem>>)
        tpu.yield
      }) : () -> ()
      %dma_start3A = arith.constant 0 : i32
      %dma_start3A_21 = arith.constant 0 : i32
      %dma_start3A_22 = tpu.memref_slice %arg2[%dma_start3A, %dma_start3A_21] : memref<10240x64xf32, #tpu.memory_space<hbm>> -> memref<10240x64xf32, #tpu.memory_space<hbm>>
      tpu.enqueue_indirect_dma source(%dma_start3A_22 : memref<10240x64xf32, #tpu.memory_space<hbm>>) target(%arg10 : memref<80x64xf32, #tpu.memory_space<vmem>>) offsets(%arg8 : memref<80xi32, #tpu.memory_space<vmem>>) semaphore(%arg11 : memref<!tpu.dma_semaphore, #tpu.memory_space<semaphore_mem>>)
      %dma_wait3A = arith.constant 0 : i32
      %dma_wait3A_23 = arith.constant 0 : i32
      %dma_wait3A_24 = tpu.memref_slice %arg2[%dma_wait3A, %dma_wait3A_23] : memref<10240x64xf32, #tpu.memory_space<hbm>> -> memref<10240x64xf32, #tpu.memory_space<hbm>>
      tpu.wait_indirect_dma semaphore(%arg11 : memref<!tpu.dma_semaphore, #tpu.memory_space<semaphore_mem>>) src(%dma_wait3A_24 : memref<10240x64xf32, #tpu.memory_space<hbm>>) dst(%arg10 : memref<80x64xf32, #tpu.memory_space<vmem>>)
      "tpu.region"() ({
        %run_scoped3A = tpu.sem_alloc : memref<!tpu.dma_semaphore, #tpu.memory_space<semaphore_mem>>
        %dma_start3A_25 = arith.constant 0 : i32
        %dma_start3A_26 = arith.constant 0 : i32
        %dma_start3A_27 = tpu.memref_slice %arg7[%dma_start3A_25, %dma_start3A_26] : memref<10240x64xf32, #tpu.memory_space<vmem_shared>> -> memref<10240x64xf32, #tpu.memory_space<vmem_shared>>
        tpu.enqueue_indirect_dma source(%arg10 : memref<80x64xf32, #tpu.memory_space<vmem>>) target(%dma_start3A_27 : memref<10240x64xf32, #tpu.memory_space<vmem_shared>>) offsets(%arg9 : memref<80xi32, #tpu.memory_space<vmem>>) semaphore(%run_scoped3A : memref<!tpu.dma_semaphore, #tpu.memory_space<semaphore_mem>>) {add = true}
        %dma_wait3A_28 = arith.constant 0 : i32
        %dma_wait3A_29 = arith.constant 0 : i32
        %dma_wait3A_30 = tpu.memref_slice %arg7[%dma_wait3A_28, %dma_wait3A_29] : memref<10240x64xf32, #tpu.memory_space<vmem_shared>> -> memref<10240x64xf32, #tpu.memory_space<vmem_shared>>
        tpu.wait_indirect_dma semaphore(%run_scoped3A : memref<!tpu.dma_semaphore, #tpu.memory_space<semaphore_mem>>) src(%arg10 : memref<80x64xf32, #tpu.memory_space<vmem>>) dst(%dma_wait3A_30 : memref<10240x64xf32, #tpu.memory_space<vmem_shared>>)
        tpu.yield
      }) : () -> ()
    }
    %scan3A_15 = arith.constant 125 : i32
    %barrier3A_16 = arith.constant 0 : index
    tpu.barrier barrier_id(%barrier3A_16)
    "tpu.region"() ({
      %run_scoped3A = tpu.sem_alloc : memref<!tpu.dma_semaphore, #tpu.memory_space<semaphore_mem>>
      %dma_start3A = arith.constant 0 : i32
      %dma_start3A_17 = tpu.memref_slice %arg6[%arg0, %mul3A_2, %dma_start3A] : memref<2x10240x64xf32, #tpu.memory_space<hbm>> -> memref<1x640x64xf32, #tpu.memory_space<hbm>>
      %dma_start3A_18 = tpu.memref_squeeze %dma_start3A_17 : memref<1x640x64xf32, #tpu.memory_space<hbm>> -> memref<640x64xf32, #tpu.memory_space<hbm>>
      %dma_start3A_19 = arith.constant 0 : i32
      %dma_start3A_20 = tpu.memref_slice %arg7[%mul3A_2, %dma_start3A_19] : memref<10240x64xf32, #tpu.memory_space<vmem_shared>> -> memref<640x64xf32, #tpu.memory_space<vmem_shared>>
      tpu.enqueue_dma source(%dma_start3A_20 : memref<640x64xf32, #tpu.memory_space<vmem_shared>>) target(%dma_start3A_18 : memref<640x64xf32, #tpu.memory_space<hbm>>) target_semaphore(%run_scoped3A : memref<!tpu.dma_semaphore, #tpu.memory_space<semaphore_mem>>)
      %dma_wait3A = arith.constant 0 : i32
      %dma_wait3A_21 = tpu.memref_slice %arg6[%arg0, %mul3A_2, %dma_wait3A] : memref<2x10240x64xf32, #tpu.memory_space<hbm>> -> memref<1x640x64xf32, #tpu.memory_space<hbm>>
      %dma_wait3A_22 = tpu.memref_squeeze %dma_wait3A_21 : memref<1x640x64xf32, #tpu.memory_space<hbm>> -> memref<640x64xf32, #tpu.memory_space<hbm>>
      %dma_wait3A_23 = arith.constant 0 : i32
      %dma_wait3A_24 = tpu.memref_slice %arg7[%mul3A_2, %dma_wait3A_23] : memref<10240x64xf32, #tpu.memory_space<vmem_shared>> -> memref<640x64xf32, #tpu.memory_space<vmem_shared>>
      tpu.wait_dma2 semaphore(%run_scoped3A : memref<!tpu.dma_semaphore, #tpu.memory_space<semaphore_mem>>) src(%dma_wait3A_24 : memref<640x64xf32, #tpu.memory_space<vmem_shared>>) dst(%dma_wait3A_22 : memref<640x64xf32, #tpu.memory_space<hbm>>)
      tpu.yield
    }) : () -> ()
    return
  }
}

module attributes {stable_mosaic.version = 14 : i64} {
  func.func @_mm1_body(%arg0: i32, %arg1: memref<512x128xf32, #tpu.memory_space<vmem>>, %arg2: memref<128x128xf32, #tpu.memory_space<vmem>>, %arg3: memref<512x1xf32, #tpu.memory_space<vmem>>, %arg4: memref<512x128xf32, #tpu.memory_space<vmem>>) attributes {dimension_semantics = [#tpu.dimension_semantics<arbitrary>], iteration_bounds = array<i64: 20>, scalar_prefetch = 0 : i64, scratch_operands = 0 : i64, tpu.core_type = #tpu.core_type<tc>, window_params = [{transform_indices = @transform_0, window_bounds = array<i64: 512, 128>}, {pipeline_mode = #tpu.pipeline_mode<synchronous>, transform_indices = @transform_1, window_bounds = array<i64: 128, 128>}, {transform_indices = @transform_2, window_bounds = array<i64: 512, 1>}, {transform_indices = @transform_3, window_bounds = array<i64: 512, 128>}]} {
    %get3A = arith.constant 0 : index
    %get3A_0 = arith.constant 0 : index
    %get3A_1 = vector.load %arg1[%get3A, %get3A_0] : memref<512x128xf32, #tpu.memory_space<vmem>>, vector<512x128xf32>
    %get3A_2 = arith.constant 0 : index
    %get3A_3 = arith.constant 0 : index
    %get3A_4 = vector.load %arg2[%get3A_2, %get3A_3] : memref<128x128xf32, #tpu.memory_space<vmem>>, vector<128x128xf32>
    %dot_general3A = arith.constant dense<0.000000e+00> : vector<512x128xf32>
    %dot_general3A_5 = tpu.matmul %get3A_1, %get3A_4, %dot_general3A {dimension_numbers = #tpu.dot_dimension_numbers<[1], [0], [0], [1], [0, 0, 1, 1], [], []>, transpose_lhs_hint = false} : vector<512x128xf32>, vector<128x128xf32>, vector<512x128xf32> -> vector<512x128xf32>
    %get3A_6 = arith.constant 0 : index
    %get3A_7 = arith.constant 0 : index
    %get3A_8 = vector.load %arg3[%get3A_6, %get3A_7] : memref<512x1xf32, #tpu.memory_space<vmem>>, vector<512x1xf32>
    %mul3A = vector.broadcast %get3A_8 : vector<512x1xf32> to vector<512x128xf32>
    %mul3A_9 = arith.mulf %dot_general3A_5, %mul3A : vector<512x128xf32>
    %swap3A = arith.constant 0 : index
    %swap3A_10 = arith.constant 0 : index
    %swap3A_11 = vector.load %arg4[%swap3A, %swap3A_10] : memref<512x128xf32, #tpu.memory_space<vmem>>, vector<512x128xf32>
    tpu.vector_store %arg4[%swap3A, %swap3A_10], %mul3A_9 {strides = array<i32>} : memref<512x128xf32, #tpu.memory_space<vmem>>, vector<512x128xf32>,
    return
  }
  func.func @transform_0(%arg0: i32) -> (i32, i32) {
    %c0_i32 = arith.constant 0 : i32
    %c0_i32_0 = arith.constant 0 : i32
    return %arg0, %c0_i32 : i32, i32
  }
  func.func @transform_1(%arg0: i32) -> (i32, i32) {
    %c0_i32 = arith.constant 0 : i32
    %c0_i32_0 = arith.constant 0 : i32
    %c0_i32_1 = arith.constant 0 : i32
    return %c0_i32, %c0_i32_0 : i32, i32
  }
  func.func @transform_2(%arg0: i32) -> (i32, i32) {
    %c0_i32 = arith.constant 0 : i32
    %c0_i32_0 = arith.constant 0 : i32
    return %arg0, %c0_i32 : i32, i32
  }
  func.func @transform_3(%arg0: i32) -> (i32, i32) {
    %c0_i32 = arith.constant 0 : i32
    %c0_i32_0 = arith.constant 0 : i32
    return %arg0, %c0_i32 : i32, i32
  }
}

module attributes {stable_mosaic.version = 14 : i64} {
  func.func @_mm2_body(%arg0: i32, %arg1: memref<512x128xf32, #tpu.memory_space<vmem>>, %arg2: memref<512x1xf32, #tpu.memory_space<vmem>>, %arg3: memref<1x128xf32, #tpu.memory_space<vmem>>, %arg4: memref<128x128xf32, #tpu.memory_space<vmem>>, %arg5: memref<512x64xf32, #tpu.memory_space<vmem>>, %arg6: memref<512x64xf32, #tpu.memory_space<vmem>>) attributes {dimension_semantics = [#tpu.dimension_semantics<arbitrary>], iteration_bounds = array<i64: 20>, scalar_prefetch = 0 : i64, scratch_operands = 0 : i64, tpu.core_type = #tpu.core_type<tc>, window_params = [{transform_indices = @transform_0, window_bounds = array<i64: 512, 128>}, {transform_indices = @transform_1, window_bounds = array<i64: 512, 1>}, {pipeline_mode = #tpu.pipeline_mode<synchronous>, transform_indices = @transform_2, window_bounds = array<i64: 1, 128>}, {pipeline_mode = #tpu.pipeline_mode<synchronous>, transform_indices = @transform_3, window_bounds = array<i64: 128, 128>}, {transform_indices = @transform_4, window_bounds = array<i64: 512, 64>}, {transform_indices = @transform_5, window_bounds = array<i64: 512, 64>}]} {
    %get3A = arith.constant 0 : index
    %get3A_0 = arith.constant 0 : index
    %get3A_1 = vector.load %arg2[%get3A, %get3A_0] : memref<512x1xf32, #tpu.memory_space<vmem>>, vector<512x1xf32>
    %get3A_2 = arith.constant 0 : index
    %get3A_3 = arith.constant 0 : index
    %get3A_4 = vector.load %arg1[%get3A_2, %get3A_3] : memref<512x128xf32, #tpu.memory_space<vmem>>, vector<512x128xf32>
    %mul3A = vector.broadcast %get3A_1 : vector<512x1xf32> to vector<512x128xf32>
    %mul3A_5 = arith.mulf %mul3A, %get3A_4 : vector<512x128xf32>
    %get3A_6 = arith.constant 0 : index
    %get3A_7 = arith.constant 0 : index
    %get3A_8 = vector.load %arg3[%get3A_6, %get3A_7] : memref<1x128xf32, #tpu.memory_space<vmem>>, vector<1x128xf32>
    %add3A = vector.broadcast %get3A_8 : vector<1x128xf32> to vector<512x128xf32>
    %add3A_9 = arith.addf %mul3A_5, %add3A : vector<512x128xf32>
    %max3A = arith.constant 0.000000e+00 : f32
    %max3A_10 = vector.broadcast %max3A : f32 to vector<512x128xf32>
    %max3A_11 = arith.maximumf %add3A_9, %max3A_10 : vector<512x128xf32>
    %get3A_12 = arith.constant 0 : index
    %get3A_13 = arith.constant 0 : index
    %get3A_14 = vector.load %arg4[%get3A_12, %get3A_13] : memref<128x128xf32, #tpu.memory_space<vmem>>, vector<128x128xf32>
    %dot_general3A = arith.constant dense<0.000000e+00> : vector<512x128xf32>
    %dot_general3A_15 = tpu.matmul %max3A_11, %get3A_14, %dot_general3A {dimension_numbers = #tpu.dot_dimension_numbers<[1], [0], [0], [1], [0, 0, 1, 1], [], []>, transpose_lhs_hint = false} : vector<512x128xf32>, vector<128x128xf32>, vector<512x128xf32> -> vector<512x128xf32>
    %slice3A = vector.extract_strided_slice %dot_general3A_15 {offsets = [0, 0], sizes = [512, 64], strides = [1, 1]} : vector<512x128xf32> to vector<512x64xf32>
    %mul3A_16 = vector.broadcast %get3A_1 : vector<512x1xf32> to vector<512x64xf32>
    %mul3A_17 = arith.mulf %slice3A, %mul3A_16 : vector<512x64xf32>
    %swap3A = arith.constant 0 : index
    %swap3A_18 = arith.constant 0 : index
    %swap3A_19 = vector.load %arg5[%swap3A, %swap3A_18] : memref<512x64xf32, #tpu.memory_space<vmem>>, vector<512x64xf32>
    tpu.vector_store %arg5[%swap3A, %swap3A_18], %mul3A_17 {strides = array<i32>} : memref<512x64xf32, #tpu.memory_space<vmem>>, vector<512x64xf32>,
    %slice3A_20 = vector.extract_strided_slice %dot_general3A_15 {offsets = [0, 64], sizes = [512, 64], strides = [1, 1]} : vector<512x128xf32> to vector<512x64xf32>
    %swap3A_21 = arith.constant 0 : index
    %swap3A_22 = arith.constant 0 : index
    %swap3A_23 = vector.load %arg6[%swap3A_21, %swap3A_22] : memref<512x64xf32, #tpu.memory_space<vmem>>, vector<512x64xf32>
    tpu.vector_store %arg6[%swap3A_21, %swap3A_22], %slice3A_20 {strides = array<i32>} : memref<512x64xf32, #tpu.memory_space<vmem>>, vector<512x64xf32>,
    return
  }
  func.func @transform_0(%arg0: i32) -> (i32, i32) {
    %c0_i32 = arith.constant 0 : i32
    %c0_i32_0 = arith.constant 0 : i32
    return %arg0, %c0_i32 : i32, i32
  }
  func.func @transform_1(%arg0: i32) -> (i32, i32) {
    %c0_i32 = arith.constant 0 : i32
    %c0_i32_0 = arith.constant 0 : i32
    return %arg0, %c0_i32 : i32, i32
  }
  func.func @transform_2(%arg0: i32) -> (i32, i32) {
    %c0_i32 = arith.constant 0 : i32
    %c0_i32_0 = arith.constant 0 : i32
    %c0_i32_1 = arith.constant 0 : i32
    return %c0_i32, %c0_i32_0 : i32, i32
  }
  func.func @transform_3(%arg0: i32) -> (i32, i32) {
    %c0_i32 = arith.constant 0 : i32
    %c0_i32_0 = arith.constant 0 : i32
    %c0_i32_1 = arith.constant 0 : i32
    return %c0_i32, %c0_i32_0 : i32, i32
  }
  func.func @transform_4(%arg0: i32) -> (i32, i32) {
    %c0_i32 = arith.constant 0 : i32
    %c0_i32_0 = arith.constant 0 : i32
    return %arg0, %c0_i32 : i32, i32
  }
  func.func @transform_5(%arg0: i32) -> (i32, i32) {
    %c0_i32 = arith.constant 0 : i32
    %c0_i32_0 = arith.constant 0 : i32
    return %arg0, %c0_i32 : i32, i32
  }
}

</mosaic_0001>

<sc_bundles>
// kernel: kernel.11.cloned.1.call-start
scs
__scs_entry_jumppad:
0x0: {  	(pc) =	sbr.rel $0x88, $3  }
0x1: {  	(tag) =	ssettag $0x0;
	lr =	simm.s32 $0x1  }
0x2: {  	[smem:$0x3F9B] =	sst lr;
	_ =	strace $0xD0000000  }
0x3: {  	_ = 	snop  }
0x4: {  	_ = 	snop  }
0x5: {  	_ = 	snop  }
0x6: {  	_ = 	snop  }
0x7: {  	_ = 	snop  }
__scs_overlays_trampoline_lowered:
0x8: {  	[smem:$0x3FAA] =	sst s0  }
0x9: {  	[smem:$0x3FAB] =	sst s1  }
0xa: {  	[smem:$0x3FAC] =	sst s2  }
0xb: {  	[smem:$0x3FAD] =	sst s3  }
0xc: {  	[smem:$0x3FAE] =	sst s4  }
0xd: {  	[smem:$0x3FAF] =	sst s5  }
0xe: {  	[smem:$0x3FB0] =	sst s6  }
0xf: {  	[smem:$0x3FB1] =	sst s7  }
0x10: {  	[smem:$0x3FB2] =	sst s8  }
0x11: {  	[smem:$0x3FB3] =	sst s9;
	s0 =	simm.s32 @!p0 $0x0  }
0x12: {  	s1 =	sld [smem:$0x3F99];
	s0 =	simm.s32 @p0 $0x1  }
0x13: {  	[smem:$0x3FB4] =	sst s0;
	s0 =	simm.s32 @!p1 $0x0  }
0x14: {  	s2 =	sld [smem:$0x3F98];
	s0 =	simm.s32 @p1 $0x1  }
0x15: {  	[smem:$0x3FB5] =	sst s0;
	s0 =	simm.s32 @!p2 $0x0  }
0x16: {  	s3 =	sld [smem:$0x3FDB];
	s0 =	simm.s32 @p2 $0x1  }
0x17: {  	s4 =	simm.s32 $0x1BF5;
	[smem:$0x3FB7] =	sst s0  }
0x18: {  	s0 =	sld [smem:$0x3F9A];
	_ =	swait.ge [sflag:s4], $0x0  }
0x19: {  	s7 =	sld [smem:$0x3F9B]  }
0x1a: {  	s8 =	sadd.s32 $0xFFFFE003, lr  }
0x1b: {  	s9 =	sadd.s32 $0xFFFFFEF7, lr;
	s5 =	simm.s32 $0xFFFFFFFF;
	p2 =	slt.u32 s8, $0xFFFFF086  }
0x1c: {  	p1 =	slt.u32 s9, $0xF7A;
	s5 =	simm.s32 @!p2 $0x0  }
0x1d: {  	s5 =	simm.s32 @p1 $0x1;
	p0 =	seq.s32 s7, s2  }
0x1e: {  	s7 =	smul.u32 @!p0 $0xF7A, s2;
	p2 =	seq.s32 @!p0 s5, $0x0  }
0x1f: {  	s9 =	smul.u32 $0xF7A, s1;
	s8 =	simm.s32 @!p0 $0x1BF5;
	p2 =	por !p2, p0  }
0x20: {  	[sflag:s8] =	ssyncset.s32 @!p0 $0xFFFFF086;
	s6 =	sadd.s32 @!p0 s3, s7;
	s7 =	simm.s32 @!p0 $0x108  }
0x21: {  	s3 =	sadd.s32 s3, s9;
	s6 =	sadd.s32 @!p0 $0x88, s6;
	s7 =	simm.s32 @p2 $0x1082  }
0x22: {  	[simem:s7], [sflag:s8] =	dma.local @!p0 [hbm:s6], $0xF7A  }
0x23: {  	s9 =	sor.u32 $0xD0000000, s2;
	s6 =	simm.s32 $0x108;
	_ =	swait.ge @!p0 [sflag:s8], $0x0  }
0x24: {  	s3 =	sadd.s32 $0x88, s3;
	s6 =	simm.s32 @!p1 $0x1082;
	[sflag:s4] =	ssyncset.s32 $0xFFFFF086  }
0x25: {  	[simem:s6], [sflag:s4] =	dma.local [hbm:s3], $0xF7A  }
0x26: {  	[smem:$0x3F9B] =	sst s1;
	(tag) =	ssettag s2;
	_ =	strace s9  }
0x27: {  	s1 =	sld [smem:$0x3FAB]  }
0x28: {  	s2 =	sld [smem:$0x3FAC]  }
0x29: {  	s4 =	sld [smem:$0x3FAE]  }
0x2a: {  	p0 =	seq.s32 s5, $0x0;
	s5 =	sld [smem:$0x3FAF]  }
0x2b: {  	s6 =	sld [smem:$0x3FB0]  }
0x2c: {  	s7 =	sld [smem:$0x3FB1]  }
0x2d: {  	s3 =	simm.s32 $0x108;
	s8 =	sld [smem:$0x3FB2]  }
0x2e: {  	s3 =	simm.s32 @!p0 $0x1082;
	s9 =	sld [smem:$0x3FB3]  }
0x2f: {  	lr =	sadd.s32 s0, s3;
	s0 =	sld [smem:$0x3FAA]  }
0x30: {  	s3 =	sld [smem:$0x3FAD]  }
0x31: {  	[smem:$0x3FB6] =	sst s10  }
0x32: {  	s10 =	sld [smem:$0x3FB4];
	_ =	sdelay $0x3  }
0x33: {  	p0 =	seq.s32 s10, $0x1;
	s10 =	sld [smem:$0x3FB6];
	_ =	sdelay $0x3  }
0x34: {  	[smem:$0x3FB6] =	sst s10  }
0x35: {  	s10 =	sld [smem:$0x3FB5];
	_ =	sdelay $0x3  }
0x36: {  	p1 =	seq.s32 s10, $0x1;
	s10 =	sld [smem:$0x3FB6];
	_ =	sdelay $0x3  }
0x37: {  	[smem:$0x3FB6] =	sst s10  }
0x38: {  	s10 =	sld [smem:$0x3FB7]  }
0x39: {  	_ = 	snop;
	(pc) =	sbr.ind lr, $3  }
0x3a: {  	_ = 	snop  }
0x3b: {  	_ = 	snop  }
0x3c: {  	p2 =	seq.s32 s10, $0x1;
	s10 =	sld [smem:$0x3FB6]  }
0x3d: {  	_ =	shalt  }
0x3e: {  	_ =	shalt  }
0x3f: {  	_ =	shalt  }
0x40: {  	_ =	shalt  }
0x41: {  	_ =	shalt  }
0x42: {  	_ =	shalt  }
0x43: {  	_ =	shalt  }
0x44: {  	_ =	shalt  }
0x45: {  	_ =	shalt  }
0x46: {  	_ =	shalt  }
0x47: {  	_ =	shalt  }
0x48: {  	_ =	shalt  }
0x49: {  	_ =	shalt  }
0x4a: {  	_ =	shalt  }
0x4b: {  	_ =	shalt  }
0x4c: {  	_ =	shalt  }
0x4d: {  	_ =	shalt  }
0x4e: {  	_ =	shalt  }
0x4f: {  	_ =	shalt  }
0x50: {  	_ =	shalt  }
0x51: {  	_ =	shalt  }
0x52: {  	_ =	shalt  }
0x53: {  	_ =	shalt  }
0x54: {  	_ =	shalt  }
0x55: {  	_ =	shalt  }
0x56: {  	_ =	shalt  }
0x57: {  	_ =	shalt  }
0x58: {  	_ =	shalt  }
0x59: {  	_ =	shalt  }
0x5a: {  	_ =	shalt  }
0x5b: {  	_ =	shalt  }
0x5c: {  	_ =	shalt  }
0x5d: {  	_ =	shalt  }
0x5e: {  	_ =	shalt  }
0x5f: {  	_ =	shalt  }
0x60: {  	_ =	shalt  }
0x61: {  	_ =	shalt  }
0x62: {  	_ =	shalt  }
0x63: {  	_ =	shalt  }
0x64: {  	_ =	shalt  }
0x65: {  	_ =	shalt  }
0x66: {  	_ =	shalt  }
0x67: {  	_ =	shalt  }
0x68: {  	_ =	shalt  }
0x69: {  	_ =	shalt  }
0x6a: {  	_ =	shalt  }
0x6b: {  	_ =	shalt  }
0x6c: {  	_ =	shalt  }
0x6d: {  	_ =	shalt  }
0x6e: {  	_ =	shalt  }
0x6f: {  	_ =	shalt  }
0x70: {  	_ =	shalt  }
0x71: {  	_ =	shalt  }
0x72: {  	_ =	shalt  }
0x73: {  	_ =	shalt  }
0x74: {  	_ =	shalt  }
0x75: {  	_ =	shalt  }
0x76: {  	_ =	shalt  }
0x77: {  	_ =	shalt  }
0x78: {  	_ =	shalt  }
0x79: {  	_ =	shalt  }
0x7a: {  	_ =	shalt  }
0x7b: {  	_ =	shalt  }
0x7c: {  	_ =	shalt  }
0x7d: {  	_ =	shalt  }
0x7e: {  	_ =	shalt  }
0x7f: {  	_ =	shalt  }
0x80: {  	_ =	shalt  }
0x81: {  	_ =	shalt  }
0x82: {  	_ =	shalt  }
0x83: {  	_ =	shalt  }
0x84: {  	_ =	shalt  }
0x85: {  	_ =	shalt  }
0x86: {  	_ =	shalt  }
0x87: {  	_ =	shalt  }
.Lfunc_end0:
.L_simem_size_0:
called_computation.1_lowered:
.L_overlay_start_0:
0x88: {  	s2 =	sld [smem:$0x3FD9]  }
0x89: {  	s3 =	sld [smem:$0x3FFE];
	_ =	sdelay $0x1  }
0x8a: {  	s1 =	srdreg.scid  }
0x8b: {  	s0 =	sand.u32 $0x1, s1  }
0x8c: {  	s16 =	sshll.u32 s0, $0xA;
	s2 =	sadd.s32 s3, s2  }
0x8d: {  	s2 =	sadd.s32 s2, s16  }
0x8e: {  	[smem:$0x3FC2] =	sst s2  }
0x8f: {  	_ = 	snop  }
0x90: {  	(tm) =	ssettm $0x1  }
0x91: {  	s17 =	sld [smem:$0x3FFB];
	_ =	sdelay $0x3  }
0x92: {  	_ =	strace s17  }
0x93: {  	s2 =	sld [smem:$0x3FFC];
	_ =	sdelay $0x3  }
0x94: {  	_ =	strace s2  }
0x95: {  	s2 =	sld [smem:$0x3FFD];
	_ =	sdelay $0x3  }
0x96: {  	_ =	strace s2  }
0x97: {  	_ =	strace $0x8FFFFFFF  }
0x98: {  	s18 =	sld [smem:$0x3FDB];
	_ =	sdelay $0x1  }
0x99: {  	s19 =	simm.s32 $_scs_section_size  }
0x9a: {  	s4 =	simm.s32 $_size__tile_overlayer_lowered;
	s5 =	simm.s32 $_tile_overlayer_lowered  }
0x9b: {  	s22 =	simm.s32 $0x1BFF;
	s21 =	sshll.u32 s5, $0x1;
	s2 =	sadd.s32 s19, s18  }
0x9c: {  	s6 =	simm.s32 $0x0;
	s20 =	sshll.u32 s4, $0x1;
	s4 =	sadd.s32 s21, s2  }
0x9d: {  	[timem:s6], [sflag:s22] =	dma.local [hbm:s4], s20  }
0x9e: {  	_ =	swait.ge [sflag:s22], s20  }
0x9f: {  	s3 =	ssub.s32 $0x0, s20;
	[sflag:s22] =	ssyncset.done $0x0  }
0xa0: {  	[sflag:s22] =	ssyncadd.s32 s3;
	_ =	sdelay $0x1  }
0xa1: {  	s23 =	simm.s32 $0x1B8B  }
0xa2: {  	_ =	swait.ge [sflag:s23], $0x1  }
0xa3: {  	[sflag:s23] =	ssyncset.done $0x0  }
0xa4: {  	s25 =	simm.s32 $0x1B8E;
	s24 =	sld [smem:$0x3FFE];
	[sflag:s23] =	ssyncadd.s32 $0xFFFFFFFF  }
0xa5: {  	s26 =	simm.s32 $execute0_lowered;
	[smem:$0x3FD2] =	sst s25  }
0xa6: {  	s4 =	sshll.u32 s26, $0x1;
	_ =	strace $0x80000049;
	[dreg:$0x1] =	wrdreg $0xFFFFFFFF  }
0xa7: {  	s28 =	simm.s32 $_size_execute0_lowered;
	s2 =	sadd.s32 s2, s4;
	[dreg:$0x0] =	wrdreg $0x0  }
0xa8: {  	s4 =	sshll.u32 s28, $0x1;
	[dreg:$0x2] =	wrdreg s2  }
0xa9: {  	[dreg:$0x3] =	wrdreg s4  }
0xaa: {  	[dreg:$0x4] =	wrdreg $0xC0  }
0xab: {  	_ =	task [dreg:s6], $0x5FFFF  }
0xac: {  	[dreg:$0x1] =	wrdreg $0xFFFFFFFF  }
0xad: {  	[dreg:$0x0] =	wrdreg $0x60  }
0xae: {  	[dreg:$0x2] =	wrdreg s24  }
0xaf: {  	[dreg:$0x3] =	wrdreg $0x0  }
0xb0: {  	[dreg:$0x4] =	wrdreg $0x9  }
0xb1: {  	_ =	task.clear_ibuf [dreg:s6], $0x5FFFF;
	_ =	strace $0x90000049  }
0xb2: {  	s29 =	simm.s32 $0x9;
	_ =	strace $0x8000004B  }
0xb3: {  	_ =	swait.ge [sflag:s29], $0x1  }
0xb4: {  	[sflag:s29] =	ssyncadd.s32 $0xFFFFFFFF  }
0xb5: {  	_ =	strace $0x9000004B  }
0xb6: {  	_ =	sfence  }
0xb7: {  	s30 =	sld [smem:$0x0];
	_ =	sdelay $0x2  }
0xb8: {  	s31 =	sshll.u32 s1, $0xD;
	s1 =	sshrl.u32 s1, $0x2  }
0xb9: {  	s3 =	sand.u32 $0x4000, s31;
	s1 =	sadd.s32 s1, s30  }
0xba: {  	s0 =	sor.u32 s3, s0;
	s1 =	sshll.u32 s1, $0x11  }
0xbb: {  	s0 =	sor.u32 s1, s0  }
0xbc: {  	s0 =	sadd.s32 $0x8F2B, s0  }
0xbd: {  	[sflag:s0] =	ssyncadd.remote.s32 $0x1  }
0xbe: {  	_ =	sfence.sel $0xFFFF  }
0xbf: {  	[dreg:$0x0] =	wrdreg $0xFFFFFFFF;
	(pc) =	sbr.abs _section_cstart, $3  }
0xc0: {  	[dreg:$0x1] =	wrdreg $0xFFFFFFFF  }
0xc1: {  	_ =	task.clear_ibuf [dreg:s6], $0x2FFFF;
	_ =	strace $0x9FFFFFFF  }
0xc2: {  	(tm) =	ssettm $0x7FFFFFFF  }
0xc3: {  	_ =	shalt  }
tec
execute0_lowered:
.L_overlay_start_1:
0x0: {  	(tag) =	ssettag $0x1  }
0x1: {  	s9 =	rddreg [dreg:$0x0]  }
0x2: {  	s2 =	rddreg [dreg:$0x1]  }
0x3: {  	s0 =	rddreg [dreg:$0x2]  }
0x4: {  	s4 =	srdreg.scid;
	s1 =	stileid.u32;
	s3 =	simm.s32 $0x0  }
0x5: {  	s15 =	simm.s32 $0x50;
	s16 =	simm.s32 $0x140A0;
	s17 =	simm.s32 $0x1  }
0x6: {  	s18 =	simm.s32 $0x0;
	s5 =	sand.u32 $0x1, s4;
	s6 =	smul.u32 $0x14000, s1  }
0x7: {  	[smem:$0x7FF] =	sst s3;
	s4 =	sadd.s32 $0x13C00, s9;
	s12 =	smul.u32 $0x4E20, s1  }
0x8: {  	s8 =	sadd.s32 $0x3BC00, s9;
	s31 =	sshll.u32 s1, $0x6;
	s7 =	smul.u32 $0x140000, s5  }
0x9: {  	_ =	strace $0x8000004A;
	s10 =	ssub.s32 $0x2, s5;
	s29 =	smul.u32 $0x2710, s5  }
0xa: {  	p0 =	seq.s32 s5, $0x0;
	s11 =	sshrl.u32 s10, $0x1;
	s13 =	sadd.s32 s6, s2  }
0xb: {  	s14 =	sshrl.u32 s6, $0x3;
	s8 =	smov.u32 @p0 s4;
	s7 =	sadd.s32 s6, s7  }
0xc: {  	s10 =	ssub.s32 s10, s11;
	s30 =	sadd.s32 s29, s12;
	s12 =	simm.s32 $0x2  }
0xd: {  	s7 =	sshrl.u32 s7, $0x3;
	s6 =	smax.u32 s10, $0x1;
	s11 =	sshrl.u32 s30, $0x3  }
0xe: {  	s7 =	sadd.s32 s7, s9;
	s9 =	sadd.s32 s11, s9;
	s11 =	sshrl.u32 s13, $0x3  }
0xf: {  	s13 =	simm.s32 $0x14000;
	s5 =	sadd.s32 $0x63C00, s7;
	s7 =	sadd.s32 s8, s14  }
0x10: {  	s8 =	sor.u32 $0x1C02, s31;
	s10 =	sadd.s32 $0x9E00, s9;
	s14 =	simm.s32 $0x14050  }
.LBB2_1:
0x11: {  	[spmem:s11], [sflag:s8] =	dma.local [hbm:s7], $0x2800  }
0x12: {  	_ =	swait.ge [sflag:s12], $0x2800  }
0x13: {  	[sflag:s12] =	ssyncset.done $0x0  }
0x14: {  	[sflag:s12] =	ssyncadd.s32 $0xFFFFD800  }
0x15: {  	s19 =	sadd.s32 $0x0, s9;
	[bflag:$0x0] =	sbarrier.arrive $0xFFFF  }
0x16: {  	[tilespmem:s13], [sflag:$0x2] =	stream.linear.gather [hbm4b:s19+s3], $0x50, $0x38;
	[tilespmem:$0x168A0] =	vst v63  }
0x17: {  	_ =	swait.ge [sflag:s12], $0x50  }
0x18: {  	[sflag:s12] =	ssyncset.done $0x0  }
0x19: {  	s31 =	sadd.s32 $0x0, s10;
	[sflag:s12] =	ssyncadd.s32 $0xFFFFFFB0  }
0x1a: {  	[tilespmem:s14], [sflag:$0x2] =	stream.linear.gather [hbm4b:s31+s3], $0x50, $0x38;
	[tilespmem:$0x168A0] =	vst v63  }
0x1b: {  	_ =	swait.ge [sflag:s12], $0x50  }
0x1c: {  	[sflag:s12] =	ssyncset.done $0x0  }
0x1d: {  	[sflag:s12] =	ssyncadd.s32 $0xFFFFFFB0  }
0x1e: {  	[tilespmem:s16], [sflag:$0x1] =	stream.indirect.gather [hbm4b:s4+s15], $0x80, s13, s15, $0xb8;
	[tilespmem:$0x168A0] =	vst v63  }
0x1f: {  	_ =	swait.ge [sflag:s17], $0x2800  }
0x20: {  	[sflag:s17] =	ssyncset.done $0x0  }
0x21: {  	[sflag:s17] =	ssyncadd.s32 $0xFFFFD800  }
0x22: {  	[spmem:s2] =	stream.indirect.scatter.add.f32 [tilespmem:s16], [sflag:$0x2], $0x80, s14, s15, $0xb8;
	[tilespmem:$0x168A0] =	vst v63  }
0x23: {  	_ =	swait.ge [sflag:s12], $0x2800  }
0x24: {  	s20 =	simm.s32 $0x14;
	s19 =	simm.s32 $0xA;
	[sflag:s12] =	ssyncset.done $0x0  }
.LBB2_2:
0x25: {  	s21 =	sadd.s32 s19, s9  }
0x26: {  	[sflag:s12] =	ssyncadd.s32 $0xFFFFD800;
	s22 =	smov.u32 s20;
	s23 =	sadd.s32 $0xA, s20  }
0x27: {  	[tilespmem:s13], [sflag:$0x2] =	stream.linear.gather [hbm4b:s21+s3], $0x50, $0x38;
	[tilespmem:$0x168A0] =	vst v63  }
0x28: {  	p0 =	sne.s32 s20, $0x4D8;
	_ =	swait.ge [sflag:s12], $0x50  }
0x29: {  	[sflag:s12] =	ssyncset.done $0x0  }
0x2a: {  	s20 =	sadd.s32 s19, s10;
	s19 =	smov.u32 s22;
	[sflag:s12] =	ssyncadd.s32 $0xFFFFFFB0  }
0x2b: {  	[tilespmem:s14], [sflag:$0x2] =	stream.linear.gather [hbm4b:s20+s3], $0x50, $0x38;
	[tilespmem:$0x168A0] =	vst v63  }
0x2c: {  	_ =	swait.ge [sflag:s12], $0x50  }
0x2d: {  	[sflag:s12] =	ssyncset.done $0x0  }
0x2e: {  	[sflag:s12] =	ssyncadd.s32 $0xFFFFFFB0  }
0x2f: {  	[tilespmem:s16], [sflag:$0x1] =	stream.indirect.gather [hbm4b:s4+s15], $0x80, s13, s15, $0xb8;
	[tilespmem:$0x168A0] =	vst v63  }
0x30: {  	_ =	swait.ge [sflag:s17], $0x2800  }
.Ltmp0:
0x31: {  	[sflag:s17] =	ssyncset.done $0x0;
	(pc) =	sbr.rel @p0 .LBB2_2-.Ltmp0, $4  }
0x32: {  	[sflag:s17] =	ssyncadd.s32 $0xFFFFD800  }
0x33: {  	[spmem:s2] =	stream.indirect.scatter.add.f32 [tilespmem:s16], [sflag:$0x2], $0x80, s14, s15, $0xb8;
	[tilespmem:$0x168A0] =	vst v63  }
0x34: {  	_ =	swait.ge [sflag:s12], $0x2800  }
0x35: {  	s20 =	smov.u32 s23;
	[sflag:s12] =	ssyncset.done $0x0  }
0x36: {  	s20 =	sadd.s32 s19, s9;
	[sflag:s12] =	ssyncadd.s32 $0xFFFFD800  }
0x37: {  	[tilespmem:s13], [sflag:$0x2] =	stream.linear.gather [hbm4b:s20+s3], $0x50, $0x38;
	[tilespmem:$0x168A0] =	vst v63  }
0x38: {  	_ =	swait.ge [sflag:s12], $0x50  }
0x39: {  	[sflag:s12] =	ssyncset.done $0x0  }
0x3a: {  	s31 =	sadd.s32 s19, s10;
	[sflag:s12] =	ssyncadd.s32 $0xFFFFFFB0  }
0x3b: {  	[tilespmem:s14], [sflag:$0x2] =	stream.linear.gather [hbm4b:s31+s3], $0x50, $0x38;
	[tilespmem:$0x168A0] =	vst v63  }
0x3c: {  	_ =	swait.ge [sflag:s12], $0x50  }
0x3d: {  	[sflag:s12] =	ssyncset.done $0x0  }
0x3e: {  	[sflag:s12] =	ssyncadd.s32 $0xFFFFFFB0  }
0x3f: {  	[tilespmem:s16], [sflag:$0x1] =	stream.indirect.gather [hbm4b:s4+s15], $0x80, s13, s15, $0xb8;
	[tilespmem:$0x168A0] =	vst v63  }
0x40: {  	_ =	swait.ge [sflag:s17], $0x2800  }
0x41: {  	[sflag:s17] =	ssyncset.done $0x0  }
0x42: {  	[sflag:s17] =	ssyncadd.s32 $0xFFFFD800  }
0x43: {  	[spmem:s2] =	stream.indirect.scatter.add.f32 [tilespmem:s16], [sflag:$0x2], $0x80, s14, s15, $0xb8;
	[tilespmem:$0x168A0] =	vst v63  }
0x44: {  	_ =	swait.ge [sflag:s12], $0x2800  }
0x45: {  	s18 =	sadd.s32 $0x1, s18;
	[sflag:s12] =	ssyncset.done $0x0  }
0x46: {  	p0 =	sne.s32 s18, s6;
	[sflag:s12] =	ssyncadd.s32 $0xFFFFD800  }
.Ltmp1:
0x47: {  	[bflag:$0x0] =	sbarrier.arrive $0xFFFF;
	(pc) =	sbr.rel @p0 .LBB2_1-.Ltmp1, $4  }
0x48: {  	[hbm:s5], [sflag:s8] =	dma.local [spmem:s11], $0x2800  }
0x49: {  	_ =	swait.ge [sflag:s12], $0x2800  }
0x4a: {  	[sflag:s12] =	ssyncset.done $0x0  }
0x4b: {  	[sflag:s12] =	ssyncadd.s32 $0xFFFFD800  }
0x4c: {  	_ =	sfence.sel $0x180000  }
0x4d: {  	[bflag:$0x0] =	sbarrier.arrive $0xFFFF  }
0x4e: {  	p0 =	sne.s32 s1, $0x0;
	_ =	strace $0x9000004A  }
0x4f: {  	s0 =	sadd.s32 @!p0 $0x100000, s0;
	[bflag:$0x2] =	sbarrier.arrive $0xFFFF  }
0x50: {  	[sflag:s0] =	ssyncadd.tile.s32 @!p0 $0x1;
	_ =	shalt  }
.Lfunc_end2:
_tile_overlayer_lowered:
.L_overlay_start_2:
0x51: {  	(tag) =	ssettag $0x2  }
0x52: {  	s0 =	rddreg [dreg:$0x0];
	s2 =	stileid.u32  }
0x53: {  	s1 =	rddreg [dreg:$0x1];
	p0 =	sne.s32 s2, $0x0  }
0x54: {  	s3 =	rddreg [dreg:$0x2];
	[bflag:$0x3] =	sbarrier.arrive $0xFFFF;
	s2 =	simm.s32 @!p0 $0x1C02  }
0x55: {  	[timem:s3], [sflag:s2] =	dma.local @!p0 [hbm:s0], s1  }
0x56: {  	s0 =	simm.s32 @!p0 $0x2  }
0x57: {  	_ =	swait.ge @!p0 [sflag:s0], s1  }
0x58: {  	s1 =	ssub.s32 @!p0 $0x0, s1;
	[sflag:s0] =	ssyncset.done @!p0 $0x0  }
0x59: {  	[sflag:s0] =	ssyncadd.s32 @!p0 s1  }
0x5a: {  	[bflag:$0x3] =	sbarrier.arrive $0xFFFF  }
0x5b: {  	_ =	shalt  }

// kernel: kernel.14.cloned.1.call-start
scs
__scs_entry_jumppad:
0x0: {  	(pc) =	sbr.rel $0x88, $3  }
0x1: {  	(tag) =	ssettag $0x0;
	lr =	simm.s32 $0x1  }
0x2: {  	[smem:$0x3F9B] =	sst lr;
	_ =	strace $0xD0000000  }
0x3: {  	_ = 	snop  }
0x4: {  	_ = 	snop  }
0x5: {  	_ = 	snop  }
0x6: {  	_ = 	snop  }
0x7: {  	_ = 	snop  }
__scs_overlays_trampoline_lowered:
0x8: {  	[smem:$0x3FAA] =	sst s0  }
0x9: {  	[smem:$0x3FAB] =	sst s1  }
0xa: {  	[smem:$0x3FAC] =	sst s2  }
0xb: {  	[smem:$0x3FAD] =	sst s3  }
0xc: {  	[smem:$0x3FAE] =	sst s4  }
0xd: {  	[smem:$0x3FAF] =	sst s5  }
0xe: {  	[smem:$0x3FB0] =	sst s6  }
0xf: {  	[smem:$0x3FB1] =	sst s7  }
0x10: {  	[smem:$0x3FB2] =	sst s8  }
0x11: {  	[smem:$0x3FB3] =	sst s9;
	s0 =	simm.s32 @!p0 $0x0  }
0x12: {  	s1 =	sld [smem:$0x3F99];
	s0 =	simm.s32 @p0 $0x1  }
0x13: {  	[smem:$0x3FB4] =	sst s0;
	s0 =	simm.s32 @!p1 $0x0  }
0x14: {  	s2 =	sld [smem:$0x3F98];
	s0 =	simm.s32 @p1 $0x1  }
0x15: {  	[smem:$0x3FB5] =	sst s0;
	s0 =	simm.s32 @!p2 $0x0  }
0x16: {  	s3 =	sld [smem:$0x3FDB];
	s0 =	simm.s32 @p2 $0x1  }
0x17: {  	s4 =	simm.s32 $0x1BF5;
	[smem:$0x3FB7] =	sst s0  }
0x18: {  	s0 =	sld [smem:$0x3F9A];
	_ =	swait.ge [sflag:s4], $0x0  }
0x19: {  	s7 =	sld [smem:$0x3F9B]  }
0x1a: {  	s8 =	sadd.s32 $0xFFFFE003, lr  }
0x1b: {  	s9 =	sadd.s32 $0xFFFFFEF7, lr;
	s5 =	simm.s32 $0xFFFFFFFF;
	p2 =	slt.u32 s8, $0xFFFFF086  }
0x1c: {  	p1 =	slt.u32 s9, $0xF7A;
	s5 =	simm.s32 @!p2 $0x0  }
0x1d: {  	s5 =	simm.s32 @p1 $0x1;
	p0 =	seq.s32 s7, s2  }
0x1e: {  	s7 =	smul.u32 @!p0 $0xF7A, s2;
	p2 =	seq.s32 @!p0 s5, $0x0  }
0x1f: {  	s9 =	smul.u32 $0xF7A, s1;
	s8 =	simm.s32 @!p0 $0x1BF5;
	p2 =	por !p2, p0  }
0x20: {  	[sflag:s8] =	ssyncset.s32 @!p0 $0xFFFFF086;
	s6 =	sadd.s32 @!p0 s3, s7;
	s7 =	simm.s32 @!p0 $0x108  }
0x21: {  	s3 =	sadd.s32 s3, s9;
	s6 =	sadd.s32 @!p0 $0x88, s6;
	s7 =	simm.s32 @p2 $0x1082  }
0x22: {  	[simem:s7], [sflag:s8] =	dma.local @!p0 [hbm:s6], $0xF7A  }
0x23: {  	s9 =	sor.u32 $0xD0000000, s2;
	s6 =	simm.s32 $0x108;
	_ =	swait.ge @!p0 [sflag:s8], $0x0  }
0x24: {  	s3 =	sadd.s32 $0x88, s3;
	s6 =	simm.s32 @!p1 $0x1082;
	[sflag:s4] =	ssyncset.s32 $0xFFFFF086  }
0x25: {  	[simem:s6], [sflag:s4] =	dma.local [hbm:s3], $0xF7A  }
0x26: {  	[smem:$0x3F9B] =	sst s1;
	(tag) =	ssettag s2;
	_ =	strace s9  }
0x27: {  	s1 =	sld [smem:$0x3FAB]  }
0x28: {  	s2 =	sld [smem:$0x3FAC]  }
0x29: {  	s4 =	sld [smem:$0x3FAE]  }
0x2a: {  	p0 =	seq.s32 s5, $0x0;
	s5 =	sld [smem:$0x3FAF]  }
0x2b: {  	s6 =	sld [smem:$0x3FB0]  }
0x2c: {  	s7 =	sld [smem:$0x3FB1]  }
0x2d: {  	s3 =	simm.s32 $0x108;
	s8 =	sld [smem:$0x3FB2]  }
0x2e: {  	s3 =	simm.s32 @!p0 $0x1082;
	s9 =	sld [smem:$0x3FB3]  }
0x2f: {  	lr =	sadd.s32 s0, s3;
	s0 =	sld [smem:$0x3FAA]  }
0x30: {  	s3 =	sld [smem:$0x3FAD]  }
0x31: {  	[smem:$0x3FB6] =	sst s10  }
0x32: {  	s10 =	sld [smem:$0x3FB4];
	_ =	sdelay $0x3  }
0x33: {  	p0 =	seq.s32 s10, $0x1;
	s10 =	sld [smem:$0x3FB6];
	_ =	sdelay $0x3  }
0x34: {  	[smem:$0x3FB6] =	sst s10  }
0x35: {  	s10 =	sld [smem:$0x3FB5];
	_ =	sdelay $0x3  }
0x36: {  	p1 =	seq.s32 s10, $0x1;
	s10 =	sld [smem:$0x3FB6];
	_ =	sdelay $0x3  }
0x37: {  	[smem:$0x3FB6] =	sst s10  }
0x38: {  	s10 =	sld [smem:$0x3FB7]  }
0x39: {  	_ = 	snop;
	(pc) =	sbr.ind lr, $3  }
0x3a: {  	_ = 	snop  }
0x3b: {  	_ = 	snop  }
0x3c: {  	p2 =	seq.s32 s10, $0x1;
	s10 =	sld [smem:$0x3FB6]  }
0x3d: {  	_ =	shalt  }
0x3e: {  	_ =	shalt  }
0x3f: {  	_ =	shalt  }
0x40: {  	_ =	shalt  }
0x41: {  	_ =	shalt  }
0x42: {  	_ =	shalt  }
0x43: {  	_ =	shalt  }
0x44: {  	_ =	shalt  }
0x45: {  	_ =	shalt  }
0x46: {  	_ =	shalt  }
0x47: {  	_ =	shalt  }
0x48: {  	_ =	shalt  }
0x49: {  	_ =	shalt  }
0x4a: {  	_ =	shalt  }
0x4b: {  	_ =	shalt  }
0x4c: {  	_ =	shalt  }
0x4d: {  	_ =	shalt  }
0x4e: {  	_ =	shalt  }
0x4f: {  	_ =	shalt  }
0x50: {  	_ =	shalt  }
0x51: {  	_ =	shalt  }
0x52: {  	_ =	shalt  }
0x53: {  	_ =	shalt  }
0x54: {  	_ =	shalt  }
0x55: {  	_ =	shalt  }
0x56: {  	_ =	shalt  }
0x57: {  	_ =	shalt  }
0x58: {  	_ =	shalt  }
0x59: {  	_ =	shalt  }
0x5a: {  	_ =	shalt  }
0x5b: {  	_ =	shalt  }
0x5c: {  	_ =	shalt  }
0x5d: {  	_ =	shalt  }
0x5e: {  	_ =	shalt  }
0x5f: {  	_ =	shalt  }
0x60: {  	_ =	shalt  }
0x61: {  	_ =	shalt  }
0x62: {  	_ =	shalt  }
0x63: {  	_ =	shalt  }
0x64: {  	_ =	shalt  }
0x65: {  	_ =	shalt  }
0x66: {  	_ =	shalt  }
0x67: {  	_ =	shalt  }
0x68: {  	_ =	shalt  }
0x69: {  	_ =	shalt  }
0x6a: {  	_ =	shalt  }
0x6b: {  	_ =	shalt  }
0x6c: {  	_ =	shalt  }
0x6d: {  	_ =	shalt  }
0x6e: {  	_ =	shalt  }
0x6f: {  	_ =	shalt  }
0x70: {  	_ =	shalt  }
0x71: {  	_ =	shalt  }
0x72: {  	_ =	shalt  }
0x73: {  	_ =	shalt  }
0x74: {  	_ =	shalt  }
0x75: {  	_ =	shalt  }
0x76: {  	_ =	shalt  }
0x77: {  	_ =	shalt  }
0x78: {  	_ =	shalt  }
0x79: {  	_ =	shalt  }
0x7a: {  	_ =	shalt  }
0x7b: {  	_ =	shalt  }
0x7c: {  	_ =	shalt  }
0x7d: {  	_ =	shalt  }
0x7e: {  	_ =	shalt  }
0x7f: {  	_ =	shalt  }
0x80: {  	_ =	shalt  }
0x81: {  	_ =	shalt  }
0x82: {  	_ =	shalt  }
0x83: {  	_ =	shalt  }
0x84: {  	_ =	shalt  }
0x85: {  	_ =	shalt  }
0x86: {  	_ =	shalt  }
0x87: {  	_ =	shalt  }
.Lfunc_end0:
.L_simem_size_0:
called_computation.2_lowered:
.L_overlay_start_0:
0x88: {  	s2 =	sld [smem:$0x3FD9]  }
0x89: {  	s3 =	sld [smem:$0x3FFE];
	_ =	sdelay $0x1  }
0x8a: {  	s1 =	srdreg.scid  }
0x8b: {  	s0 =	sand.u32 $0x1, s1  }
0x8c: {  	s17 =	sshll.u32 s0, $0xA;
	s2 =	sadd.s32 s3, s2  }
0x8d: {  	s2 =	sadd.s32 s2, s17  }
0x8e: {  	[smem:$0x3FC2] =	sst s2  }
0x8f: {  	_ = 	snop  }
0x90: {  	s2 =	sld [smem:$0x3FD0];
	(tm) =	ssettm $0x1  }
0x91: {  	s18 =	sld [smem:$0x3FFB];
	_ =	sdelay $0x3  }
0x92: {  	_ =	strace s18  }
0x93: {  	s3 =	sld [smem:$0x3FFC];
	_ =	sdelay $0x3  }
0x94: {  	_ =	strace s3  }
0x95: {  	s3 =	sld [smem:$0x3FFD];
	_ =	sdelay $0x3  }
0x96: {  	_ =	strace s3  }
0x97: {  	_ =	strace $0x8FFFFFFF  }
0x98: {  	s19 =	sld [smem:$0x3FDB];
	_ =	sdelay $0x1  }
0x99: {  	s4 =	simm.s32 $_scs_section_size  }
0x9a: {  	s5 =	simm.s32 $_size__tile_overlayer_lowered;
	s6 =	simm.s32 $_tile_overlayer_lowered  }
0x9b: {  	s22 =	simm.s32 $0x1BFF;
	s21 =	sshll.u32 s6, $0x1;
	s3 =	sadd.s32 s4, s19  }
0x9c: {  	s7 =	simm.s32 $0x0;
	s20 =	sshll.u32 s5, $0x1;
	s5 =	sadd.s32 s21, s3  }
0x9d: {  	[timem:s7], [sflag:s22] =	dma.local [hbm:s5], s20  }
0x9e: {  	_ =	swait.ge [sflag:s22], s20  }
0x9f: {  	s4 =	ssub.s32 $0x0, s20;
	[sflag:s22] =	ssyncset.done $0x0  }
0xa0: {  	[sflag:s22] =	ssyncadd.s32 s4;
	_ =	sdelay $0x1  }
0xa1: {  	s23 =	simm.s32 $0x1B8B  }
0xa2: {  	_ =	swait.ge [sflag:s23], $0x1  }
0xa3: {  	[sflag:s23] =	ssyncset.done $0x0  }
0xa4: {  	s25 =	simm.s32 $0x1B8E;
	s24 =	sld [smem:$0x3FFE];
	[sflag:s23] =	ssyncadd.s32 $0xFFFFFFFF  }
0xa5: {  	s26 =	simm.s32 $execute0_lowered;
	[smem:$0x3FD2] =	sst s25  }
0xa6: {  	s5 =	sshll.u32 s26, $0x1;
	_ =	strace $0x8000004C;
	[dreg:$0x1] =	wrdreg $0xFFFFFFFF  }
0xa7: {  	s28 =	simm.s32 $_size_execute0_lowered;
	s3 =	sadd.s32 s3, s5;
	[dreg:$0x0] =	wrdreg $0x0  }
0xa8: {  	s5 =	sshll.u32 s28, $0x1;
	[dreg:$0x2] =	wrdreg s3  }
0xa9: {  	[dreg:$0x3] =	wrdreg s5  }
0xaa: {  	[dreg:$0x4] =	wrdreg $0xC0  }
0xab: {  	_ =	task [dreg:s7], $0x5FFFF  }
0xac: {  	[dreg:$0x1] =	wrdreg $0xFFFFFFFF  }
0xad: {  	[dreg:$0x0] =	wrdreg $0x60  }
0xae: {  	[dreg:$0x2] =	wrdreg s24  }
0xaf: {  	[dreg:$0x3] =	wrdreg s2  }
0xb0: {  	[dreg:$0x4] =	wrdreg $0x9  }
0xb1: {  	_ =	task.clear_ibuf [dreg:s7], $0x5FFFF;
	_ =	strace $0x9000004C  }
0xb2: {  	s29 =	simm.s32 $0x9;
	_ =	strace $0x8000004E  }
0xb3: {  	_ =	swait.ge [sflag:s29], $0x1  }
0xb4: {  	[sflag:s29] =	ssyncadd.s32 $0xFFFFFFFF  }
0xb5: {  	_ =	strace $0x9000004E  }
0xb6: {  	_ =	sfence  }
0xb7: {  	s30 =	sld [smem:$0x0];
	_ =	sdelay $0x2  }
0xb8: {  	s31 =	sshll.u32 s1, $0xD;
	s1 =	sshrl.u32 s1, $0x2  }
0xb9: {  	s3 =	sand.u32 $0x4000, s31;
	s1 =	sadd.s32 s1, s30  }
0xba: {  	s0 =	sor.u32 s3, s0;
	s1 =	sshll.u32 s1, $0x11  }
0xbb: {  	s0 =	sor.u32 s1, s0  }
0xbc: {  	s0 =	sadd.s32 $0x8F2B, s0  }
0xbd: {  	[sflag:s0] =	ssyncadd.remote.s32 $0x1  }
0xbe: {  	_ =	sfence.sel $0xFFFF  }
0xbf: {  	[dreg:$0x0] =	wrdreg $0xFFFFFFFF;
	(pc) =	sbr.abs _section_cstart, $3  }
0xc0: {  	[dreg:$0x1] =	wrdreg $0xFFFFFFFF  }
0xc1: {  	_ =	task.clear_ibuf [dreg:s7], $0x2FFFF;
	_ =	strace $0x9FFFFFFF  }
0xc2: {  	(tm) =	ssettm $0x7FFFFFFF  }
0xc3: {  	_ =	shalt  }
tec
execute0_lowered:
.L_overlay_start_1:
0x0: {  	(tag) =	ssettag $0x1  }
0x1: {  	s1 =	srdreg.scid;
	s0 =	stileid.u32  }
0x2: {  	s14 =	sand.u32 $0x1, s1;
	s26 =	sshll.u32 s0, $0x1  }
0x3: {  	s8 =	rddreg [dreg:$0x0];
	s9 =	sor.u32 s14, s26  }
0x4: {  	s13 =	rddreg [dreg:$0x1];
	s15 =	smul.u32 $0x140, s9  }
0x5: {  	s2 =	simm.s32 $0x0;
	s1 =	rddreg [dreg:$0x2]  }
0x6: {  	[smem:$0x7FF] =	sst s2;
	s3 =	sshrl.u32 s15, $0x3  }
0x7: {  	_ =	strace $0x8000004D;
	s4 =	sadd.s32 s13, s3;
	s3 =	simm.s32 $0x2  }
0x8: {  	[tilespmem:s2], [sflag:$0x2] =	stream.linear.gather [hbm4b:s4+s2], $0x50, $0x38;
	[tilespmem:$0x1450] =	vst v63  }
0x9: {  	_ =	swait.ge [sflag:s3], $0x50  }
0xa: {  	s6 =	simm.s32 $0x50;
	[sflag:s3] =	ssyncset.done $0x0  }
0xb: {  	s7 =	simm.s32 $0x1;
	s5 =	sadd.s32 $0x13C00, s8;
	[sflag:s3] =	ssyncadd.s32 $0xFFFFFFB0  }
0xc: {  	[tilespmem:s6], [sflag:$0x1] =	stream.indirect.gather [hbm4b:s5+s6], $0x40, s2, s6, $0xb8;
	[tilespmem:$0x1450] =	vst v63  }
0xd: {  	s9 =	smul.u32 $0xA00, s9;
	_ =	swait.ge [sflag:s7], $0x1400  }
0xe: {  	s16 =	sadd.s32 $0x27C00, s8;
	[sflag:s7] =	ssyncset.done $0x0  }
0xf: {  	s8 =	sadd.s32 s16, s9;
	[sflag:s7] =	ssyncadd.s32 $0xFFFFEC00  }
0x10: {  	[hbm4b:s8+s2] =	stream.linear.scatter [tilespmem:s6], [sflag:$0x2], $0x1400, $0x38;
	[tilespmem:$0x1450] =	vst v63  }
0x11: {  	s10 =	sadd.s32 $0x50, s15;
	_ =	swait.ge [sflag:s3], $0x1400  }
0x12: {  	s28 =	sshrl.u32 s10, $0x3;
	[sflag:s3] =	ssyncset.done $0x0  }
0x13: {  	s9 =	sadd.s32 s13, s28;
	[sflag:s3] =	ssyncadd.s32 $0xFFFFEC00  }
0x14: {  	[tilespmem:s2], [sflag:$0x2] =	stream.linear.gather [hbm4b:s9+s2], $0x50, $0x38;
	[tilespmem:$0x1450] =	vst v63  }
0x15: {  	_ =	swait.ge [sflag:s3], $0x50  }
0x16: {  	[sflag:s3] =	ssyncset.done $0x0  }
0x17: {  	[sflag:s3] =	ssyncadd.s32 $0xFFFFFFB0  }
0x18: {  	[tilespmem:s6], [sflag:$0x1] =	stream.indirect.gather [hbm4b:s5+s6], $0x40, s2, s6, $0xb8;
	[tilespmem:$0x1450] =	vst v63  }
0x19: {  	_ =	swait.ge [sflag:s7], $0x1400  }
0x1a: {  	s10 =	sshll.u32 s10, $0x3;
	[sflag:s7] =	ssyncset.done $0x0  }
0x1b: {  	s10 =	sadd.s32 s16, s10;
	[sflag:s7] =	ssyncadd.s32 $0xFFFFEC00  }
0x1c: {  	[hbm4b:s10+s2] =	stream.linear.scatter [tilespmem:s6], [sflag:$0x2], $0x1400, $0x38;
	[tilespmem:$0x1450] =	vst v63  }
0x1d: {  	s12 =	sadd.s32 $0xA0, s15;
	_ =	swait.ge [sflag:s3], $0x1400  }
0x1e: {  	s11 =	sshrl.u32 s12, $0x3;
	[sflag:s3] =	ssyncset.done $0x0  }
0x1f: {  	s11 =	sadd.s32 s13, s11;
	[sflag:s3] =	ssyncadd.s32 $0xFFFFEC00  }
0x20: {  	[tilespmem:s2], [sflag:$0x2] =	stream.linear.gather [hbm4b:s11+s2], $0x50, $0x38;
	[tilespmem:$0x1450] =	vst v63  }
0x21: {  	_ =	swait.ge [sflag:s3], $0x50  }
0x22: {  	[sflag:s3] =	ssyncset.done $0x0  }
0x23: {  	[sflag:s3] =	ssyncadd.s32 $0xFFFFFFB0  }
0x24: {  	[tilespmem:s6], [sflag:$0x1] =	stream.indirect.gather [hbm4b:s5+s6], $0x40, s2, s6, $0xb8;
	[tilespmem:$0x1450] =	vst v63  }
0x25: {  	_ =	swait.ge [sflag:s7], $0x1400  }
0x26: {  	s12 =	sshll.u32 s12, $0x3;
	[sflag:s7] =	ssyncset.done $0x0  }
0x27: {  	s12 =	sadd.s32 s16, s12;
	[sflag:s7] =	ssyncadd.s32 $0xFFFFEC00  }
0x28: {  	[hbm4b:s12+s2] =	stream.linear.scatter [tilespmem:s6], [sflag:$0x2], $0x1400, $0x38;
	[tilespmem:$0x1450] =	vst v63  }
0x29: {  	s15 =	sadd.s32 $0xF0, s15;
	_ =	swait.ge [sflag:s3], $0x1400  }
0x2a: {  	s17 =	sshrl.u32 s15, $0x3;
	[sflag:s3] =	ssyncset.done $0x0  }
0x2b: {  	s14 =	ssub.s32 $0x2, s14;
	s13 =	sadd.s32 s13, s17;
	[sflag:s3] =	ssyncadd.s32 $0xFFFFEC00  }
0x2c: {  	[tilespmem:s2], [sflag:$0x2] =	stream.linear.gather [hbm4b:s13+s2], $0x50, $0x38;
	[tilespmem:$0x1450] =	vst v63  }
0x2d: {  	s29 =	sshrl.u32 s14, $0x1;
	_ =	swait.ge [sflag:s3], $0x50  }
0x2e: {  	s17 =	ssub.s32 s14, s29;
	[sflag:s3] =	ssyncset.done $0x0  }
0x2f: {  	s31 =	smax.u32 s17, $0x1;
	[sflag:s3] =	ssyncadd.s32 $0xFFFFFFB0  }
0x30: {  	[tilespmem:s6], [sflag:$0x1] =	stream.indirect.gather [hbm4b:s5+s6], $0x40, s2, s6, $0xb8;
	[tilespmem:$0x1450] =	vst v63  }
0x31: {  	p0 =	sne.s32 s31, $0x1;
	_ =	swait.ge [sflag:s7], $0x1400  }
.Ltmp0:
0x32: {  	s30 =	sshll.u32 s15, $0x3;
	[sflag:s7] =	ssyncset.done $0x0;
	(pc) =	sbr.rel @!p0 .LBB2_2-.Ltmp0, $4  }
0x33: {  	s14 =	sadd.s32 s16, s30;
	[sflag:s7] =	ssyncadd.s32 $0xFFFFEC00  }
0x34: {  	[hbm4b:s14+s2] =	stream.linear.scatter [tilespmem:s6], [sflag:$0x2], $0x1400, $0x38;
	[tilespmem:$0x1450] =	vst v63  }
0x35: {  	_ =	swait.ge [sflag:s3], $0x1400  }
0x36: {  	s15 =	sadd.s32 $0xFFFFFFFF, s31;
	[sflag:s3] =	ssyncset.done $0x0  }
.LBB2_1:
0x37: {  	p0 =	sne.s32 s15, $0x1;
	s15 =	sadd.s32 $0xFFFFFFFF, s15;
	[sflag:s3] =	ssyncadd.s32 $0xFFFFEC00  }
0x38: {  	[tilespmem:s2], [sflag:$0x2] =	stream.linear.gather [hbm4b:s4+s2], $0x50, $0x38;
	[tilespmem:$0x1450] =	vst v63  }
0x39: {  	_ =	swait.ge [sflag:s3], $0x50  }
0x3a: {  	[sflag:s3] =	ssyncset.done $0x0  }
0x3b: {  	[sflag:s3] =	ssyncadd.s32 $0xFFFFFFB0  }
0x3c: {  	[tilespmem:s6], [sflag:$0x1] =	stream.indirect.gather [hbm4b:s5+s6], $0x40, s2, s6, $0xb8;
	[tilespmem:$0x1450] =	vst v63  }
0x3d: {  	_ =	swait.ge [sflag:s7], $0x1400  }
0x3e: {  	[sflag:s7] =	ssyncset.done $0x0  }
0x3f: {  	[sflag:s7] =	ssyncadd.s32 $0xFFFFEC00  }
0x40: {  	[hbm4b:s8+s2] =	stream.linear.scatter [tilespmem:s6], [sflag:$0x2], $0x1400, $0x38;
	[tilespmem:$0x1450] =	vst v63  }
0x41: {  	_ =	swait.ge [sflag:s3], $0x1400  }
0x42: {  	[sflag:s3] =	ssyncset.done $0x0  }
0x43: {  	[sflag:s3] =	ssyncadd.s32 $0xFFFFEC00  }
0x44: {  	[tilespmem:s2], [sflag:$0x2] =	stream.linear.gather [hbm4b:s9+s2], $0x50, $0x38;
	[tilespmem:$0x1450] =	vst v63  }
0x45: {  	_ =	swait.ge [sflag:s3], $0x50  }
0x46: {  	[sflag:s3] =	ssyncset.done $0x0  }
0x47: {  	[sflag:s3] =	ssyncadd.s32 $0xFFFFFFB0  }
0x48: {  	[tilespmem:s6], [sflag:$0x1] =	stream.indirect.gather [hbm4b:s5+s6], $0x40, s2, s6, $0xb8;
	[tilespmem:$0x1450] =	vst v63  }
0x49: {  	_ =	swait.ge [sflag:s7], $0x1400  }
0x4a: {  	[sflag:s7] =	ssyncset.done $0x0  }
0x4b: {  	[sflag:s7] =	ssyncadd.s32 $0xFFFFEC00  }
0x4c: {  	[hbm4b:s10+s2] =	stream.linear.scatter [tilespmem:s6], [sflag:$0x2], $0x1400, $0x38;
	[tilespmem:$0x1450] =	vst v63  }
0x4d: {  	_ =	swait.ge [sflag:s3], $0x1400  }
0x4e: {  	[sflag:s3] =	ssyncset.done $0x0  }
0x4f: {  	[sflag:s3] =	ssyncadd.s32 $0xFFFFEC00  }
0x50: {  	[tilespmem:s2], [sflag:$0x2] =	stream.linear.gather [hbm4b:s11+s2], $0x50, $0x38;
	[tilespmem:$0x1450] =	vst v63  }
0x51: {  	_ =	swait.ge [sflag:s3], $0x50  }
0x52: {  	[sflag:s3] =	ssyncset.done $0x0  }
0x53: {  	[sflag:s3] =	ssyncadd.s32 $0xFFFFFFB0  }
0x54: {  	[tilespmem:s6], [sflag:$0x1] =	stream.indirect.gather [hbm4b:s5+s6], $0x40, s2, s6, $0xb8;
	[tilespmem:$0x1450] =	vst v63  }
0x55: {  	_ =	swait.ge [sflag:s7], $0x1400  }
0x56: {  	[sflag:s7] =	ssyncset.done $0x0  }
0x57: {  	[sflag:s7] =	ssyncadd.s32 $0xFFFFEC00  }
0x58: {  	[hbm4b:s12+s2] =	stream.linear.scatter [tilespmem:s6], [sflag:$0x2], $0x1400, $0x38;
	[tilespmem:$0x1450] =	vst v63  }
0x59: {  	_ =	swait.ge [sflag:s3], $0x1400  }
0x5a: {  	[sflag:s3] =	ssyncset.done $0x0  }
0x5b: {  	[sflag:s3] =	ssyncadd.s32 $0xFFFFEC00  }
0x5c: {  	[tilespmem:s2], [sflag:$0x2] =	stream.linear.gather [hbm4b:s13+s2], $0x50, $0x38;
	[tilespmem:$0x1450] =	vst v63  }
0x5d: {  	_ =	swait.ge [sflag:s3], $0x50  }
0x5e: {  	[sflag:s3] =	ssyncset.done $0x0  }
0x5f: {  	[sflag:s3] =	ssyncadd.s32 $0xFFFFFFB0  }
0x60: {  	[tilespmem:s6], [sflag:$0x1] =	stream.indirect.gather [hbm4b:s5+s6], $0x40, s2, s6, $0xb8;
	[tilespmem:$0x1450] =	vst v63  }
0x61: {  	_ =	swait.ge [sflag:s7], $0x1400  }
.Ltmp1:
0x62: {  	[sflag:s7] =	ssyncset.done $0x0;
	(pc) =	sbr.rel @p0 .LBB2_1-.Ltmp1, $4  }
0x63: {  	[sflag:s7] =	ssyncadd.s32 $0xFFFFEC00  }
0x64: {  	[hbm4b:s14+s2] =	stream.linear.scatter [tilespmem:s6], [sflag:$0x2], $0x1400, $0x38;
	[tilespmem:$0x1450] =	vst v63  }
0x65: {  	_ =	swait.ge [sflag:s3], $0x1400  }
0x66: {  	[sflag:s3] =	ssyncset.done $0x0  }
.LBB2_2:
0x67: {  	[sflag:s3] =	ssyncadd.s32 $0xFFFFEC00  }
0x68: {  	_ =	sfence.sel $0x180000  }
0x69: {  	[bflag:$0x0] =	sbarrier.arrive $0xFFFF  }
0x6a: {  	p0 =	sne.s32 s0, $0x0;
	_ =	strace $0x9000004D  }
0x6b: {  	s0 =	sadd.s32 @!p0 $0x100000, s1;
	[bflag:$0x2] =	sbarrier.arrive $0xFFFF  }
0x6c: {  	[sflag:s0] =	ssyncadd.tile.s32 @!p0 $0x1;
	_ =	shalt  }
.Lfunc_end2:
_tile_overlayer_lowered:
.L_overlay_start_2:
0x6d: {  	(tag) =	ssettag $0x2  }
0x6e: {  	s0 =	rddreg [dreg:$0x0];
	s2 =	stileid.u32  }
0x6f: {  	s1 =	rddreg [dreg:$0x1];
	p0 =	sne.s32 s2, $0x0  }
0x70: {  	s3 =	rddreg [dreg:$0x2];
	[bflag:$0x3] =	sbarrier.arrive $0xFFFF;
	s2 =	simm.s32 @!p0 $0x1C02  }
0x71: {  	[timem:s3], [sflag:s2] =	dma.local @!p0 [hbm:s0], s1  }
0x72: {  	s0 =	simm.s32 @!p0 $0x2  }
0x73: {  	_ =	swait.ge @!p0 [sflag:s0], s1  }
0x74: {  	s1 =	ssub.s32 @!p0 $0x0, s1;
	[sflag:s0] =	ssyncset.done @!p0 $0x0  }
0x75: {  	[sflag:s0] =	ssyncadd.s32 @!p0 s1  }
0x76: {  	[bflag:$0x3] =	sbarrier.arrive $0xFFFF  }
0x77: {  	_ =	shalt  }

// kernel: kernel.17.cloned.1.call-start
scs
__scs_entry_jumppad:
0x0: {  	(pc) =	sbr.rel $0x88, $3  }
0x1: {  	(tag) =	ssettag $0x0;
	lr =	simm.s32 $0x1  }
0x2: {  	[smem:$0x3F9B] =	sst lr;
	_ =	strace $0xD0000000  }
0x3: {  	_ = 	snop  }
0x4: {  	_ = 	snop  }
0x5: {  	_ = 	snop  }
0x6: {  	_ = 	snop  }
0x7: {  	_ = 	snop  }
__scs_overlays_trampoline_lowered:
0x8: {  	[smem:$0x3FAA] =	sst s0  }
0x9: {  	[smem:$0x3FAB] =	sst s1  }
0xa: {  	[smem:$0x3FAC] =	sst s2  }
0xb: {  	[smem:$0x3FAD] =	sst s3  }
0xc: {  	[smem:$0x3FAE] =	sst s4  }
0xd: {  	[smem:$0x3FAF] =	sst s5  }
0xe: {  	[smem:$0x3FB0] =	sst s6  }
0xf: {  	[smem:$0x3FB1] =	sst s7  }
0x10: {  	[smem:$0x3FB2] =	sst s8  }
0x11: {  	[smem:$0x3FB3] =	sst s9;
	s0 =	simm.s32 @!p0 $0x0  }
0x12: {  	s1 =	sld [smem:$0x3F99];
	s0 =	simm.s32 @p0 $0x1  }
0x13: {  	[smem:$0x3FB4] =	sst s0;
	s0 =	simm.s32 @!p1 $0x0  }
0x14: {  	s2 =	sld [smem:$0x3F98];
	s0 =	simm.s32 @p1 $0x1  }
0x15: {  	[smem:$0x3FB5] =	sst s0;
	s0 =	simm.s32 @!p2 $0x0  }
0x16: {  	s3 =	sld [smem:$0x3FDB];
	s0 =	simm.s32 @p2 $0x1  }
0x17: {  	s4 =	simm.s32 $0x1BF5;
	[smem:$0x3FB7] =	sst s0  }
0x18: {  	s0 =	sld [smem:$0x3F9A];
	_ =	swait.ge [sflag:s4], $0x0  }
0x19: {  	s7 =	sld [smem:$0x3F9B]  }
0x1a: {  	s8 =	sadd.s32 $0xFFFFE003, lr  }
0x1b: {  	s9 =	sadd.s32 $0xFFFFFEF7, lr;
	s5 =	simm.s32 $0xFFFFFFFF;
	p2 =	slt.u32 s8, $0xFFFFF086  }
0x1c: {  	p1 =	slt.u32 s9, $0xF7A;
	s5 =	simm.s32 @!p2 $0x0  }
0x1d: {  	s5 =	simm.s32 @p1 $0x1;
	p0 =	seq.s32 s7, s2  }
0x1e: {  	s7 =	smul.u32 @!p0 $0xF7A, s2;
	p2 =	seq.s32 @!p0 s5, $0x0  }
0x1f: {  	s9 =	smul.u32 $0xF7A, s1;
	s8 =	simm.s32 @!p0 $0x1BF5;
	p2 =	por !p2, p0  }
0x20: {  	[sflag:s8] =	ssyncset.s32 @!p0 $0xFFFFF086;
	s6 =	sadd.s32 @!p0 s3, s7;
	s7 =	simm.s32 @!p0 $0x108  }
0x21: {  	s3 =	sadd.s32 s3, s9;
	s6 =	sadd.s32 @!p0 $0x88, s6;
	s7 =	simm.s32 @p2 $0x1082  }
0x22: {  	[simem:s7], [sflag:s8] =	dma.local @!p0 [hbm:s6], $0xF7A  }
0x23: {  	s9 =	sor.u32 $0xD0000000, s2;
	s6 =	simm.s32 $0x108;
	_ =	swait.ge @!p0 [sflag:s8], $0x0  }
0x24: {  	s3 =	sadd.s32 $0x88, s3;
	s6 =	simm.s32 @!p1 $0x1082;
	[sflag:s4] =	ssyncset.s32 $0xFFFFF086  }
0x25: {  	[simem:s6], [sflag:s4] =	dma.local [hbm:s3], $0xF7A  }
0x26: {  	[smem:$0x3F9B] =	sst s1;
	(tag) =	ssettag s2;
	_ =	strace s9  }
0x27: {  	s1 =	sld [smem:$0x3FAB]  }
0x28: {  	s2 =	sld [smem:$0x3FAC]  }
0x29: {  	s4 =	sld [smem:$0x3FAE]  }
0x2a: {  	p0 =	seq.s32 s5, $0x0;
	s5 =	sld [smem:$0x3FAF]  }
0x2b: {  	s6 =	sld [smem:$0x3FB0]  }
0x2c: {  	s7 =	sld [smem:$0x3FB1]  }
0x2d: {  	s3 =	simm.s32 $0x108;
	s8 =	sld [smem:$0x3FB2]  }
0x2e: {  	s3 =	simm.s32 @!p0 $0x1082;
	s9 =	sld [smem:$0x3FB3]  }
0x2f: {  	lr =	sadd.s32 s0, s3;
	s0 =	sld [smem:$0x3FAA]  }
0x30: {  	s3 =	sld [smem:$0x3FAD]  }
0x31: {  	[smem:$0x3FB6] =	sst s10  }
0x32: {  	s10 =	sld [smem:$0x3FB4];
	_ =	sdelay $0x3  }
0x33: {  	p0 =	seq.s32 s10, $0x1;
	s10 =	sld [smem:$0x3FB6];
	_ =	sdelay $0x3  }
0x34: {  	[smem:$0x3FB6] =	sst s10  }
0x35: {  	s10 =	sld [smem:$0x3FB5];
	_ =	sdelay $0x3  }
0x36: {  	p1 =	seq.s32 s10, $0x1;
	s10 =	sld [smem:$0x3FB6];
	_ =	sdelay $0x3  }
0x37: {  	[smem:$0x3FB6] =	sst s10  }
0x38: {  	s10 =	sld [smem:$0x3FB7]  }
0x39: {  	_ = 	snop;
	(pc) =	sbr.ind lr, $3  }
0x3a: {  	_ = 	snop  }
0x3b: {  	_ = 	snop  }
0x3c: {  	p2 =	seq.s32 s10, $0x1;
	s10 =	sld [smem:$0x3FB6]  }
0x3d: {  	_ =	shalt  }
0x3e: {  	_ =	shalt  }
0x3f: {  	_ =	shalt  }
0x40: {  	_ =	shalt  }
0x41: {  	_ =	shalt  }
0x42: {  	_ =	shalt  }
0x43: {  	_ =	shalt  }
0x44: {  	_ =	shalt  }
0x45: {  	_ =	shalt  }
0x46: {  	_ =	shalt  }
0x47: {  	_ =	shalt  }
0x48: {  	_ =	shalt  }
0x49: {  	_ =	shalt  }
0x4a: {  	_ =	shalt  }
0x4b: {  	_ =	shalt  }
0x4c: {  	_ =	shalt  }
0x4d: {  	_ =	shalt  }
0x4e: {  	_ =	shalt  }
0x4f: {  	_ =	shalt  }
0x50: {  	_ =	shalt  }
0x51: {  	_ =	shalt  }
0x52: {  	_ =	shalt  }
0x53: {  	_ =	shalt  }
0x54: {  	_ =	shalt  }
0x55: {  	_ =	shalt  }
0x56: {  	_ =	shalt  }
0x57: {  	_ =	shalt  }
0x58: {  	_ =	shalt  }
0x59: {  	_ =	shalt  }
0x5a: {  	_ =	shalt  }
0x5b: {  	_ =	shalt  }
0x5c: {  	_ =	shalt  }
0x5d: {  	_ =	shalt  }
0x5e: {  	_ =	shalt  }
0x5f: {  	_ =	shalt  }
0x60: {  	_ =	shalt  }
0x61: {  	_ =	shalt  }
0x62: {  	_ =	shalt  }
0x63: {  	_ =	shalt  }
0x64: {  	_ =	shalt  }
0x65: {  	_ =	shalt  }
0x66: {  	_ =	shalt  }
0x67: {  	_ =	shalt  }
0x68: {  	_ =	shalt  }
0x69: {  	_ =	shalt  }
0x6a: {  	_ =	shalt  }
0x6b: {  	_ =	shalt  }
0x6c: {  	_ =	shalt  }
0x6d: {  	_ =	shalt  }
0x6e: {  	_ =	shalt  }
0x6f: {  	_ =	shalt  }
0x70: {  	_ =	shalt  }
0x71: {  	_ =	shalt  }
0x72: {  	_ =	shalt  }
0x73: {  	_ =	shalt  }
0x74: {  	_ =	shalt  }
0x75: {  	_ =	shalt  }
0x76: {  	_ =	shalt  }
0x77: {  	_ =	shalt  }
0x78: {  	_ =	shalt  }
0x79: {  	_ =	shalt  }
0x7a: {  	_ =	shalt  }
0x7b: {  	_ =	shalt  }
0x7c: {  	_ =	shalt  }
0x7d: {  	_ =	shalt  }
0x7e: {  	_ =	shalt  }
0x7f: {  	_ =	shalt  }
0x80: {  	_ =	shalt  }
0x81: {  	_ =	shalt  }
0x82: {  	_ =	shalt  }
0x83: {  	_ =	shalt  }
0x84: {  	_ =	shalt  }
0x85: {  	_ =	shalt  }
0x86: {  	_ =	shalt  }
0x87: {  	_ =	shalt  }
.Lfunc_end0:
.L_simem_size_0:
called_computation.3_lowered:
.L_overlay_start_0:
0x88: {  	s2 =	sld [smem:$0x3FD9]  }
0x89: {  	s3 =	sld [smem:$0x3FFE];
	_ =	sdelay $0x1  }
0x8a: {  	s1 =	srdreg.scid  }
0x8b: {  	s0 =	sand.u32 $0x1, s1  }
0x8c: {  	s16 =	sshll.u32 s0, $0xA;
	s2 =	sadd.s32 s3, s2  }
0x8d: {  	s2 =	sadd.s32 s2, s16  }
0x8e: {  	[smem:$0x3FC2] =	sst s2  }
0x8f: {  	_ = 	snop  }
0x90: {  	(tm) =	ssettm $0x1  }
0x91: {  	s17 =	sld [smem:$0x3FFB];
	_ =	sdelay $0x3  }
0x92: {  	_ =	strace s17  }
0x93: {  	s2 =	sld [smem:$0x3FFC];
	_ =	sdelay $0x3  }
0x94: {  	_ =	strace s2  }
0x95: {  	s2 =	sld [smem:$0x3FFD];
	_ =	sdelay $0x3  }
0x96: {  	_ =	strace s2  }
0x97: {  	_ =	strace $0x8FFFFFFF  }
0x98: {  	s18 =	sld [smem:$0x3FDB];
	_ =	sdelay $0x1  }
0x99: {  	s19 =	simm.s32 $_scs_section_size  }
0x9a: {  	s4 =	simm.s32 $_size__tile_overlayer_lowered;
	s5 =	simm.s32 $_tile_overlayer_lowered  }
0x9b: {  	s22 =	simm.s32 $0x1BFF;
	s21 =	sshll.u32 s5, $0x1;
	s2 =	sadd.s32 s19, s18  }
0x9c: {  	s6 =	simm.s32 $0x0;
	s20 =	sshll.u32 s4, $0x1;
	s4 =	sadd.s32 s21, s2  }
0x9d: {  	[timem:s6], [sflag:s22] =	dma.local [hbm:s4], s20  }
0x9e: {  	_ =	swait.ge [sflag:s22], s20  }
0x9f: {  	s3 =	ssub.s32 $0x0, s20;
	[sflag:s22] =	ssyncset.done $0x0  }
0xa0: {  	[sflag:s22] =	ssyncadd.s32 s3;
	_ =	sdelay $0x1  }
0xa1: {  	s23 =	simm.s32 $0x1B8B  }
0xa2: {  	_ =	swait.ge [sflag:s23], $0x1  }
0xa3: {  	[sflag:s23] =	ssyncset.done $0x0  }
0xa4: {  	s25 =	simm.s32 $0x1B8E;
	s24 =	sld [smem:$0x3FFE];
	[sflag:s23] =	ssyncadd.s32 $0xFFFFFFFF  }
0xa5: {  	s26 =	simm.s32 $execute0_lowered;
	[smem:$0x3FD2] =	sst s25  }
0xa6: {  	s4 =	sshll.u32 s26, $0x1;
	_ =	strace $0x8000004F;
	[dreg:$0x1] =	wrdreg $0xFFFFFFFF  }
0xa7: {  	s28 =	simm.s32 $_size_execute0_lowered;
	s2 =	sadd.s32 s2, s4;
	[dreg:$0x0] =	wrdreg $0x0  }
0xa8: {  	s4 =	sshll.u32 s28, $0x1;
	[dreg:$0x2] =	wrdreg s2  }
0xa9: {  	[dreg:$0x3] =	wrdreg s4  }
0xaa: {  	[dreg:$0x4] =	wrdreg $0xC0  }
0xab: {  	_ =	task [dreg:s6], $0x5FFFF  }
0xac: {  	[dreg:$0x1] =	wrdreg $0xFFFFFFFF  }
0xad: {  	[dreg:$0x0] =	wrdreg $0x60  }
0xae: {  	[dreg:$0x2] =	wrdreg s24  }
0xaf: {  	[dreg:$0x3] =	wrdreg $0x0  }
0xb0: {  	[dreg:$0x4] =	wrdreg $0x9  }
0xb1: {  	_ =	task.clear_ibuf [dreg:s6], $0x5FFFF;
	_ =	strace $0x9000004F  }
0xb2: {  	s29 =	simm.s32 $0x9;
	_ =	strace $0x80000051  }
0xb3: {  	_ =	swait.ge [sflag:s29], $0x1  }
0xb4: {  	[sflag:s29] =	ssyncadd.s32 $0xFFFFFFFF  }
0xb5: {  	_ =	strace $0x90000051  }
0xb6: {  	_ =	sfence  }
0xb7: {  	s30 =	sld [smem:$0x0];
	_ =	sdelay $0x2  }
0xb8: {  	s31 =	sshll.u32 s1, $0xD;
	s1 =	sshrl.u32 s1, $0x2  }
0xb9: {  	s3 =	sand.u32 $0x4000, s31;
	s1 =	sadd.s32 s1, s30  }
0xba: {  	s0 =	sor.u32 s3, s0;
	s1 =	sshll.u32 s1, $0x11  }
0xbb: {  	s0 =	sor.u32 s1, s0  }
0xbc: {  	s0 =	sadd.s32 $0x8F2B, s0  }
0xbd: {  	[sflag:s0] =	ssyncadd.remote.s32 $0x1  }
0xbe: {  	_ =	sfence.sel $0xFFFF  }
0xbf: {  	[dreg:$0x0] =	wrdreg $0xFFFFFFFF;
	(pc) =	sbr.abs _section_cstart, $3  }
0xc0: {  	[dreg:$0x1] =	wrdreg $0xFFFFFFFF  }
0xc1: {  	_ =	task.clear_ibuf [dreg:s6], $0x2FFFF;
	_ =	strace $0x9FFFFFFF  }
0xc2: {  	(tm) =	ssettm $0x7FFFFFFF  }
0xc3: {  	_ =	shalt  }
tec
execute0_lowered:
.L_overlay_start_1:
0x0: {  	(tag) =	ssettag $0x1  }
0x1: {  	s9 =	rddreg [dreg:$0x0]  }
0x2: {  	s2 =	rddreg [dreg:$0x1]  }
0x3: {  	s0 =	rddreg [dreg:$0x2]  }
0x4: {  	s4 =	srdreg.scid;
	s1 =	stileid.u32;
	s3 =	simm.s32 $0x0  }
0x5: {  	s15 =	simm.s32 $0x50;
	s16 =	simm.s32 $0xA0A0;
	s17 =	simm.s32 $0x1  }
0x6: {  	s18 =	simm.s32 $0x0;
	s5 =	sand.u32 $0x1, s4;
	s6 =	smul.u32 $0xA000, s1  }
0x7: {  	[smem:$0x7FF] =	sst s3;
	s4 =	sadd.s32 $0x13C00, s9;
	s12 =	smul.u32 $0x4E20, s1  }
0x8: {  	s8 =	sadd.s32 $0x27C00, s9;
	s31 =	sshll.u32 s1, $0x6;
	s7 =	smul.u32 $0xA0000, s5  }
0x9: {  	_ =	strace $0x80000050;
	s10 =	ssub.s32 $0x2, s5;
	s29 =	smul.u32 $0x2710, s5  }
0xa: {  	p0 =	seq.s32 s5, $0x0;
	s11 =	sshrl.u32 s10, $0x1;
	s13 =	sadd.s32 s6, s2  }
0xb: {  	s14 =	sshrl.u32 s6, $0x3;
	s8 =	smov.u32 @p0 s4;
	s7 =	sadd.s32 s6, s7  }
0xc: {  	s10 =	ssub.s32 s10, s11;
	s30 =	sadd.s32 s29, s12;
	s12 =	simm.s32 $0x2  }
0xd: {  	s7 =	sshrl.u32 s7, $0x3;
	s6 =	smax.u32 s10, $0x1;
	s11 =	sshrl.u32 s30, $0x3  }
0xe: {  	s7 =	sadd.s32 s7, s9;
	s9 =	sadd.s32 s11, s9;
	s11 =	sshrl.u32 s13, $0x3  }
0xf: {  	s13 =	simm.s32 $0xA000;
	s5 =	sadd.s32 $0x3BC00, s7;
	s7 =	sadd.s32 s8, s14  }
0x10: {  	s8 =	sor.u32 $0x1C02, s31;
	s10 =	sadd.s32 $0x9E00, s9;
	s14 =	simm.s32 $0xA050  }
.LBB2_1:
0x11: {  	[spmem:s11], [sflag:s8] =	dma.local [hbm:s7], $0x1400  }
0x12: {  	_ =	swait.ge [sflag:s12], $0x1400  }
0x13: {  	[sflag:s12] =	ssyncset.done $0x0  }
0x14: {  	[sflag:s12] =	ssyncadd.s32 $0xFFFFEC00  }
0x15: {  	s19 =	sadd.s32 $0x0, s9;
	[bflag:$0x0] =	sbarrier.arrive $0xFFFF  }
0x16: {  	[tilespmem:s13], [sflag:$0x2] =	stream.linear.gather [hbm4b:s19+s3], $0x50, $0x38;
	[tilespmem:$0xB4A0] =	vst v63  }
0x17: {  	_ =	swait.ge [sflag:s12], $0x50  }
0x18: {  	[sflag:s12] =	ssyncset.done $0x0  }
0x19: {  	s31 =	sadd.s32 $0x0, s10;
	[sflag:s12] =	ssyncadd.s32 $0xFFFFFFB0  }
0x1a: {  	[tilespmem:s14], [sflag:$0x2] =	stream.linear.gather [hbm4b:s31+s3], $0x50, $0x38;
	[tilespmem:$0xB4A0] =	vst v63  }
0x1b: {  	_ =	swait.ge [sflag:s12], $0x50  }
0x1c: {  	[sflag:s12] =	ssyncset.done $0x0  }
0x1d: {  	[sflag:s12] =	ssyncadd.s32 $0xFFFFFFB0  }
0x1e: {  	[tilespmem:s16], [sflag:$0x1] =	stream.indirect.gather [hbm4b:s4+s15], $0x40, s13, s15, $0xb8;
	[tilespmem:$0xB4A0] =	vst v63  }
0x1f: {  	_ =	swait.ge [sflag:s17], $0x1400  }
0x20: {  	[sflag:s17] =	ssyncset.done $0x0  }
0x21: {  	[sflag:s17] =	ssyncadd.s32 $0xFFFFEC00  }
0x22: {  	[spmem:s2] =	stream.indirect.scatter.add.f32 [tilespmem:s16], [sflag:$0x2], $0x40, s14, s15, $0xb8;
	[tilespmem:$0xB4A0] =	vst v63  }
0x23: {  	_ =	swait.ge [sflag:s12], $0x1400  }
0x24: {  	s20 =	simm.s32 $0x14;
	s19 =	simm.s32 $0xA;
	[sflag:s12] =	ssyncset.done $0x0  }
.LBB2_2:
0x25: {  	s21 =	sadd.s32 s19, s9  }
0x26: {  	[sflag:s12] =	ssyncadd.s32 $0xFFFFEC00;
	s22 =	smov.u32 s20;
	s23 =	sadd.s32 $0xA, s20  }
0x27: {  	[tilespmem:s13], [sflag:$0x2] =	stream.linear.gather [hbm4b:s21+s3], $0x50, $0x38;
	[tilespmem:$0xB4A0] =	vst v63  }
0x28: {  	p0 =	sne.s32 s20, $0x4D8;
	_ =	swait.ge [sflag:s12], $0x50  }
0x29: {  	[sflag:s12] =	ssyncset.done $0x0  }
0x2a: {  	s20 =	sadd.s32 s19, s10;
	s19 =	smov.u32 s22;
	[sflag:s12] =	ssyncadd.s32 $0xFFFFFFB0  }
0x2b: {  	[tilespmem:s14], [sflag:$0x2] =	stream.linear.gather [hbm4b:s20+s3], $0x50, $0x38;
	[tilespmem:$0xB4A0] =	vst v63  }
0x2c: {  	_ =	swait.ge [sflag:s12], $0x50  }
0x2d: {  	[sflag:s12] =	ssyncset.done $0x0  }
0x2e: {  	[sflag:s12] =	ssyncadd.s32 $0xFFFFFFB0  }
0x2f: {  	[tilespmem:s16], [sflag:$0x1] =	stream.indirect.gather [hbm4b:s4+s15], $0x40, s13, s15, $0xb8;
	[tilespmem:$0xB4A0] =	vst v63  }
0x30: {  	_ =	swait.ge [sflag:s17], $0x1400  }
.Ltmp0:
0x31: {  	[sflag:s17] =	ssyncset.done $0x0;
	(pc) =	sbr.rel @p0 .LBB2_2-.Ltmp0, $4  }
0x32: {  	[sflag:s17] =	ssyncadd.s32 $0xFFFFEC00  }
0x33: {  	[spmem:s2] =	stream.indirect.scatter.add.f32 [tilespmem:s16], [sflag:$0x2], $0x40, s14, s15, $0xb8;
	[tilespmem:$0xB4A0] =	vst v63  }
0x34: {  	_ =	swait.ge [sflag:s12], $0x1400  }
0x35: {  	s20 =	smov.u32 s23;
	[sflag:s12] =	ssyncset.done $0x0  }
0x36: {  	s20 =	sadd.s32 s19, s9;
	[sflag:s12] =	ssyncadd.s32 $0xFFFFEC00  }
0x37: {  	[tilespmem:s13], [sflag:$0x2] =	stream.linear.gather [hbm4b:s20+s3], $0x50, $0x38;
	[tilespmem:$0xB4A0] =	vst v63  }
0x38: {  	_ =	swait.ge [sflag:s12], $0x50  }
0x39: {  	[sflag:s12] =	ssyncset.done $0x0  }
0x3a: {  	s31 =	sadd.s32 s19, s10;
	[sflag:s12] =	ssyncadd.s32 $0xFFFFFFB0  }
0x3b: {  	[tilespmem:s14], [sflag:$0x2] =	stream.linear.gather [hbm4b:s31+s3], $0x50, $0x38;
	[tilespmem:$0xB4A0] =	vst v63  }
0x3c: {  	_ =	swait.ge [sflag:s12], $0x50  }
0x3d: {  	[sflag:s12] =	ssyncset.done $0x0  }
0x3e: {  	[sflag:s12] =	ssyncadd.s32 $0xFFFFFFB0  }
0x3f: {  	[tilespmem:s16], [sflag:$0x1] =	stream.indirect.gather [hbm4b:s4+s15], $0x40, s13, s15, $0xb8;
	[tilespmem:$0xB4A0] =	vst v63  }
0x40: {  	_ =	swait.ge [sflag:s17], $0x1400  }
0x41: {  	[sflag:s17] =	ssyncset.done $0x0  }
0x42: {  	[sflag:s17] =	ssyncadd.s32 $0xFFFFEC00  }
0x43: {  	[spmem:s2] =	stream.indirect.scatter.add.f32 [tilespmem:s16], [sflag:$0x2], $0x40, s14, s15, $0xb8;
	[tilespmem:$0xB4A0] =	vst v63  }
0x44: {  	_ =	swait.ge [sflag:s12], $0x1400  }
0x45: {  	s18 =	sadd.s32 $0x1, s18;
	[sflag:s12] =	ssyncset.done $0x0  }
0x46: {  	p0 =	sne.s32 s18, s6;
	[sflag:s12] =	ssyncadd.s32 $0xFFFFEC00  }
.Ltmp1:
0x47: {  	[bflag:$0x0] =	sbarrier.arrive $0xFFFF;
	(pc) =	sbr.rel @p0 .LBB2_1-.Ltmp1, $4  }
0x48: {  	[hbm:s5], [sflag:s8] =	dma.local [spmem:s11], $0x1400  }
0x49: {  	_ =	swait.ge [sflag:s12], $0x1400  }
0x4a: {  	[sflag:s12] =	ssyncset.done $0x0  }
0x4b: {  	[sflag:s12] =	ssyncadd.s32 $0xFFFFEC00  }
0x4c: {  	_ =	sfence.sel $0x180000  }
0x4d: {  	[bflag:$0x0] =	sbarrier.arrive $0xFFFF  }
0x4e: {  	p0 =	sne.s32 s1, $0x0;
	_ =	strace $0x90000050  }
0x4f: {  	s0 =	sadd.s32 @!p0 $0x100000, s0;
	[bflag:$0x2] =	sbarrier.arrive $0xFFFF  }
0x50: {  	[sflag:s0] =	ssyncadd.tile.s32 @!p0 $0x1;
	_ =	shalt  }
.Lfunc_end2:
_tile_overlayer_lowered:
.L_overlay_start_2:
0x51: {  	(tag) =	ssettag $0x2  }
0x52: {  	s0 =	rddreg [dreg:$0x0];
	s2 =	stileid.u32  }
0x53: {  	s1 =	rddreg [dreg:$0x1];
	p0 =	sne.s32 s2, $0x0  }
0x54: {  	s3 =	rddreg [dreg:$0x2];
	[bflag:$0x3] =	sbarrier.arrive $0xFFFF;
	s2 =	simm.s32 @!p0 $0x1C02  }
0x55: {  	[timem:s3], [sflag:s2] =	dma.local @!p0 [hbm:s0], s1  }
0x56: {  	s0 =	simm.s32 @!p0 $0x2  }
0x57: {  	_ =	swait.ge @!p0 [sflag:s0], s1  }
0x58: {  	s1 =	ssub.s32 @!p0 $0x0, s1;
	[sflag:s0] =	ssyncset.done @!p0 $0x0  }
0x59: {  	[sflag:s0] =	ssyncadd.s32 @!p0 s1  }
0x5a: {  	[bflag:$0x3] =	sbarrier.arrive $0xFFFF  }
0x5b: {  	_ =	shalt  }

// kernel: kernel.8.cloned.1.call-start
scs
__scs_entry_jumppad:
0x0: {  	(pc) =	sbr.rel $0x88, $3  }
0x1: {  	(tag) =	ssettag $0x0;
	lr =	simm.s32 $0x1  }
0x2: {  	[smem:$0x3F9B] =	sst lr;
	_ =	strace $0xD0000000  }
0x3: {  	_ = 	snop  }
0x4: {  	_ = 	snop  }
0x5: {  	_ = 	snop  }
0x6: {  	_ = 	snop  }
0x7: {  	_ = 	snop  }
__scs_overlays_trampoline_lowered:
0x8: {  	[smem:$0x3FAA] =	sst s0  }
0x9: {  	[smem:$0x3FAB] =	sst s1  }
0xa: {  	[smem:$0x3FAC] =	sst s2  }
0xb: {  	[smem:$0x3FAD] =	sst s3  }
0xc: {  	[smem:$0x3FAE] =	sst s4  }
0xd: {  	[smem:$0x3FAF] =	sst s5  }
0xe: {  	[smem:$0x3FB0] =	sst s6  }
0xf: {  	[smem:$0x3FB1] =	sst s7  }
0x10: {  	[smem:$0x3FB2] =	sst s8  }
0x11: {  	[smem:$0x3FB3] =	sst s9;
	s0 =	simm.s32 @!p0 $0x0  }
0x12: {  	s1 =	sld [smem:$0x3F99];
	s0 =	simm.s32 @p0 $0x1  }
0x13: {  	[smem:$0x3FB4] =	sst s0;
	s0 =	simm.s32 @!p1 $0x0  }
0x14: {  	s2 =	sld [smem:$0x3F98];
	s0 =	simm.s32 @p1 $0x1  }
0x15: {  	[smem:$0x3FB5] =	sst s0;
	s0 =	simm.s32 @!p2 $0x0  }
0x16: {  	s3 =	sld [smem:$0x3FDB];
	s0 =	simm.s32 @p2 $0x1  }
0x17: {  	s4 =	simm.s32 $0x1BF5;
	[smem:$0x3FB7] =	sst s0  }
0x18: {  	s0 =	sld [smem:$0x3F9A];
	_ =	swait.ge [sflag:s4], $0x0  }
0x19: {  	s7 =	sld [smem:$0x3F9B]  }
0x1a: {  	s8 =	sadd.s32 $0xFFFFE003, lr  }
0x1b: {  	s9 =	sadd.s32 $0xFFFFFEF7, lr;
	s5 =	simm.s32 $0xFFFFFFFF;
	p2 =	slt.u32 s8, $0xFFFFF086  }
0x1c: {  	p1 =	slt.u32 s9, $0xF7A;
	s5 =	simm.s32 @!p2 $0x0  }
0x1d: {  	s5 =	simm.s32 @p1 $0x1;
	p0 =	seq.s32 s7, s2  }
0x1e: {  	s7 =	smul.u32 @!p0 $0xF7A, s2;
	p2 =	seq.s32 @!p0 s5, $0x0  }
0x1f: {  	s9 =	smul.u32 $0xF7A, s1;
	s8 =	simm.s32 @!p0 $0x1BF5;
	p2 =	por !p2, p0  }
0x20: {  	[sflag:s8] =	ssyncset.s32 @!p0 $0xFFFFF086;
	s6 =	sadd.s32 @!p0 s3, s7;
	s7 =	simm.s32 @!p0 $0x108  }
0x21: {  	s3 =	sadd.s32 s3, s9;
	s6 =	sadd.s32 @!p0 $0x88, s6;
	s7 =	simm.s32 @p2 $0x1082  }
0x22: {  	[simem:s7], [sflag:s8] =	dma.local @!p0 [hbm:s6], $0xF7A  }
0x23: {  	s9 =	sor.u32 $0xD0000000, s2;
	s6 =	simm.s32 $0x108;
	_ =	swait.ge @!p0 [sflag:s8], $0x0  }
0x24: {  	s3 =	sadd.s32 $0x88, s3;
	s6 =	simm.s32 @!p1 $0x1082;
	[sflag:s4] =	ssyncset.s32 $0xFFFFF086  }
0x25: {  	[simem:s6], [sflag:s4] =	dma.local [hbm:s3], $0xF7A  }
0x26: {  	[smem:$0x3F9B] =	sst s1;
	(tag) =	ssettag s2;
	_ =	strace s9  }
0x27: {  	s1 =	sld [smem:$0x3FAB]  }
0x28: {  	s2 =	sld [smem:$0x3FAC]  }
0x29: {  	s4 =	sld [smem:$0x3FAE]  }
0x2a: {  	p0 =	seq.s32 s5, $0x0;
	s5 =	sld [smem:$0x3FAF]  }
0x2b: {  	s6 =	sld [smem:$0x3FB0]  }
0x2c: {  	s7 =	sld [smem:$0x3FB1]  }
0x2d: {  	s3 =	simm.s32 $0x108;
	s8 =	sld [smem:$0x3FB2]  }
0x2e: {  	s3 =	simm.s32 @!p0 $0x1082;
	s9 =	sld [smem:$0x3FB3]  }
0x2f: {  	lr =	sadd.s32 s0, s3;
	s0 =	sld [smem:$0x3FAA]  }
0x30: {  	s3 =	sld [smem:$0x3FAD]  }
0x31: {  	[smem:$0x3FB6] =	sst s10  }
0x32: {  	s10 =	sld [smem:$0x3FB4];
	_ =	sdelay $0x3  }
0x33: {  	p0 =	seq.s32 s10, $0x1;
	s10 =	sld [smem:$0x3FB6];
	_ =	sdelay $0x3  }
0x34: {  	[smem:$0x3FB6] =	sst s10  }
0x35: {  	s10 =	sld [smem:$0x3FB5];
	_ =	sdelay $0x3  }
0x36: {  	p1 =	seq.s32 s10, $0x1;
	s10 =	sld [smem:$0x3FB6];
	_ =	sdelay $0x3  }
0x37: {  	[smem:$0x3FB6] =	sst s10  }
0x38: {  	s10 =	sld [smem:$0x3FB7]  }
0x39: {  	_ = 	snop;
	(pc) =	sbr.ind lr, $3  }
0x3a: {  	_ = 	snop  }
0x3b: {  	_ = 	snop  }
0x3c: {  	p2 =	seq.s32 s10, $0x1;
	s10 =	sld [smem:$0x3FB6]  }
0x3d: {  	_ =	shalt  }
0x3e: {  	_ =	shalt  }
0x3f: {  	_ =	shalt  }
0x40: {  	_ =	shalt  }
0x41: {  	_ =	shalt  }
0x42: {  	_ =	shalt  }
0x43: {  	_ =	shalt  }
0x44: {  	_ =	shalt  }
0x45: {  	_ =	shalt  }
0x46: {  	_ =	shalt  }
0x47: {  	_ =	shalt  }
0x48: {  	_ =	shalt  }
0x49: {  	_ =	shalt  }
0x4a: {  	_ =	shalt  }
0x4b: {  	_ =	shalt  }
0x4c: {  	_ =	shalt  }
0x4d: {  	_ =	shalt  }
0x4e: {  	_ =	shalt  }
0x4f: {  	_ =	shalt  }
0x50: {  	_ =	shalt  }
0x51: {  	_ =	shalt  }
0x52: {  	_ =	shalt  }
0x53: {  	_ =	shalt  }
0x54: {  	_ =	shalt  }
0x55: {  	_ =	shalt  }
0x56: {  	_ =	shalt  }
0x57: {  	_ =	shalt  }
0x58: {  	_ =	shalt  }
0x59: {  	_ =	shalt  }
0x5a: {  	_ =	shalt  }
0x5b: {  	_ =	shalt  }
0x5c: {  	_ =	shalt  }
0x5d: {  	_ =	shalt  }
0x5e: {  	_ =	shalt  }
0x5f: {  	_ =	shalt  }
0x60: {  	_ =	shalt  }
0x61: {  	_ =	shalt  }
0x62: {  	_ =	shalt  }
0x63: {  	_ =	shalt  }
0x64: {  	_ =	shalt  }
0x65: {  	_ =	shalt  }
0x66: {  	_ =	shalt  }
0x67: {  	_ =	shalt  }
0x68: {  	_ =	shalt  }
0x69: {  	_ =	shalt  }
0x6a: {  	_ =	shalt  }
0x6b: {  	_ =	shalt  }
0x6c: {  	_ =	shalt  }
0x6d: {  	_ =	shalt  }
0x6e: {  	_ =	shalt  }
0x6f: {  	_ =	shalt  }
0x70: {  	_ =	shalt  }
0x71: {  	_ =	shalt  }
0x72: {  	_ =	shalt  }
0x73: {  	_ =	shalt  }
0x74: {  	_ =	shalt  }
0x75: {  	_ =	shalt  }
0x76: {  	_ =	shalt  }
0x77: {  	_ =	shalt  }
0x78: {  	_ =	shalt  }
0x79: {  	_ =	shalt  }
0x7a: {  	_ =	shalt  }
0x7b: {  	_ =	shalt  }
0x7c: {  	_ =	shalt  }
0x7d: {  	_ =	shalt  }
0x7e: {  	_ =	shalt  }
0x7f: {  	_ =	shalt  }
0x80: {  	_ =	shalt  }
0x81: {  	_ =	shalt  }
0x82: {  	_ =	shalt  }
0x83: {  	_ =	shalt  }
0x84: {  	_ =	shalt  }
0x85: {  	_ =	shalt  }
0x86: {  	_ =	shalt  }
0x87: {  	_ =	shalt  }
.Lfunc_end0:
.L_simem_size_0:
called_computation_lowered:
.L_overlay_start_0:
0x88: {  	s2 =	sld [smem:$0x3FD9]  }
0x89: {  	s3 =	sld [smem:$0x3FFE];
	_ =	sdelay $0x1  }
0x8a: {  	s1 =	srdreg.scid  }
0x8b: {  	s0 =	sand.u32 $0x1, s1  }
0x8c: {  	s17 =	sshll.u32 s0, $0xA;
	s2 =	sadd.s32 s3, s2  }
0x8d: {  	s2 =	sadd.s32 s2, s17  }
0x8e: {  	[smem:$0x3FC2] =	sst s2  }
0x8f: {  	_ = 	snop  }
0x90: {  	s2 =	sld [smem:$0x3FD0];
	(tm) =	ssettm $0x1  }
0x91: {  	s18 =	sld [smem:$0x3FFB];
	_ =	sdelay $0x3  }
0x92: {  	_ =	strace s18  }
0x93: {  	s3 =	sld [smem:$0x3FFC];
	_ =	sdelay $0x3  }
0x94: {  	_ =	strace s3  }
0x95: {  	s3 =	sld [smem:$0x3FFD];
	_ =	sdelay $0x3  }
0x96: {  	_ =	strace s3  }
0x97: {  	_ =	strace $0x8FFFFFFF  }
0x98: {  	s19 =	sld [smem:$0x3FDB];
	_ =	sdelay $0x1  }
0x99: {  	s4 =	simm.s32 $_scs_section_size  }
0x9a: {  	s5 =	simm.s32 $_size__tile_overlayer_lowered;
	s6 =	simm.s32 $_tile_overlayer_lowered  }
0x9b: {  	s22 =	simm.s32 $0x1BFF;
	s21 =	sshll.u32 s6, $0x1;
	s3 =	sadd.s32 s4, s19  }
0x9c: {  	s7 =	simm.s32 $0x0;
	s20 =	sshll.u32 s5, $0x1;
	s5 =	sadd.s32 s21, s3  }
0x9d: {  	[timem:s7], [sflag:s22] =	dma.local [hbm:s5], s20  }
0x9e: {  	_ =	swait.ge [sflag:s22], s20  }
0x9f: {  	s4 =	ssub.s32 $0x0, s20;
	[sflag:s22] =	ssyncset.done $0x0  }
0xa0: {  	[sflag:s22] =	ssyncadd.s32 s4;
	_ =	sdelay $0x1  }
0xa1: {  	s23 =	simm.s32 $0x1B8B  }
0xa2: {  	_ =	swait.ge [sflag:s23], $0x1  }
0xa3: {  	[sflag:s23] =	ssyncset.done $0x0  }
0xa4: {  	s25 =	simm.s32 $0x1B8E;
	s24 =	sld [smem:$0x3FFE];
	[sflag:s23] =	ssyncadd.s32 $0xFFFFFFFF  }
0xa5: {  	s26 =	simm.s32 $execute0_lowered;
	[smem:$0x3FD2] =	sst s25  }
0xa6: {  	s5 =	sshll.u32 s26, $0x1;
	_ =	strace $0x80000046;
	[dreg:$0x1] =	wrdreg $0xFFFFFFFF  }
0xa7: {  	s28 =	simm.s32 $_size_execute0_lowered;
	s3 =	sadd.s32 s3, s5;
	[dreg:$0x0] =	wrdreg $0x0  }
0xa8: {  	s5 =	sshll.u32 s28, $0x1;
	[dreg:$0x2] =	wrdreg s3  }
0xa9: {  	[dreg:$0x3] =	wrdreg s5  }
0xaa: {  	[dreg:$0x4] =	wrdreg $0xC0  }
0xab: {  	_ =	task [dreg:s7], $0x5FFFF  }
0xac: {  	[dreg:$0x1] =	wrdreg $0xFFFFFFFF  }
0xad: {  	[dreg:$0x0] =	wrdreg $0x60  }
0xae: {  	[dreg:$0x2] =	wrdreg s24  }
0xaf: {  	[dreg:$0x3] =	wrdreg s2  }
0xb0: {  	[dreg:$0x4] =	wrdreg $0x9  }
0xb1: {  	_ =	task.clear_ibuf [dreg:s7], $0x5FFFF;
	_ =	strace $0x90000046  }
0xb2: {  	s29 =	simm.s32 $0x9;
	_ =	strace $0x80000048  }
0xb3: {  	_ =	swait.ge [sflag:s29], $0x1  }
0xb4: {  	[sflag:s29] =	ssyncadd.s32 $0xFFFFFFFF  }
0xb5: {  	_ =	strace $0x90000048  }
0xb6: {  	_ =	sfence  }
0xb7: {  	s30 =	sld [smem:$0x0];
	_ =	sdelay $0x2  }
0xb8: {  	s31 =	sshll.u32 s1, $0xD;
	s1 =	sshrl.u32 s1, $0x2  }
0xb9: {  	s3 =	sand.u32 $0x4000, s31;
	s1 =	sadd.s32 s1, s30  }
0xba: {  	s0 =	sor.u32 s3, s0;
	s1 =	sshll.u32 s1, $0x11  }
0xbb: {  	s0 =	sor.u32 s1, s0  }
0xbc: {  	s0 =	sadd.s32 $0x8F2B, s0  }
0xbd: {  	[sflag:s0] =	ssyncadd.remote.s32 $0x1  }
0xbe: {  	_ =	sfence.sel $0xFFFF  }
0xbf: {  	[dreg:$0x0] =	wrdreg $0xFFFFFFFF;
	(pc) =	sbr.abs _section_cstart, $3  }
0xc0: {  	[dreg:$0x1] =	wrdreg $0xFFFFFFFF  }
0xc1: {  	_ =	task.clear_ibuf [dreg:s7], $0x2FFFF;
	_ =	strace $0x9FFFFFFF  }
0xc2: {  	(tm) =	ssettm $0x7FFFFFFF  }
0xc3: {  	_ =	shalt  }
tec
execute0_lowered:
.L_overlay_start_1:
0x0: {  	(tag) =	ssettag $0x1  }
0x1: {  	s1 =	srdreg.scid;
	s0 =	stileid.u32  }
0x2: {  	s3 =	rddreg [dreg:$0x0];
	s4 =	sand.u32 $0x1, s1;
	s30 =	sshll.u32 s0, $0x1  }
0x3: {  	s5 =	rddreg [dreg:$0x1];
	s2 =	simm.s32 $0x0;
	s6 =	sor.u32 s4, s30  }
0x4: {  	s11 =	simm.s32 $0x1;
	s1 =	rddreg [dreg:$0x2];
	s7 =	smul.u32 $0x2710, s6  }
0x5: {  	s12 =	simm.s32 $0x2800;
	s13 =	simm.s32 $0x0;
	[smem:$0x7FF] =	sst s2  }
0x6: {  	s4 =	ssub.s32 $0x2, s4;
	s6 =	smul.u32 $0x500, s6;
	s7 =	sshrl.u32 s7, $0x3  }
0x7: {  	_ =	strace $0x80000047;
	s31 =	sshrl.u32 s4, $0x1;
	s10 =	sadd.s32 s7, s3  }
0x8: {  	s3 =	sadd.s32 $0x13C00, s3;
	s7 =	ssub.s32 s4, s31;
	s4 =	sadd.s32 s5, s6  }
0x9: {  	s5 =	smax.u32 s7, $0x1;
	s6 =	sadd.s32 $0x9E00, s10;
	s7 =	sadd.s32 $0x9EFA, s10  }
0xa: {  	v0 =	vimm.f32 $1.000000000e+00;
	s8 =	sadd.s32 $0x9FF4, s10;
	s9 =	sadd.s32 $0xA0EE, s10;
	s10 =	sadd.s32 $0xA1E8, s10  }
.LBB2_1:
0xb: {  	[tilespmem:s2], [sflag:$0x1] =	stream.linear.gather [hbm4b:s3+s2], $0x2800, $0x38;
	[tilespmem:$0x2FD0] =	vst v63  }
0xc: {  	_ =	swait.ge [sflag:s11], $0x2800  }
0xd: {  	[sflag:s11] =	ssyncset.done $0x0  }
0xe: {  	[sflag:s11] =	ssyncadd.s32 $0xFFFFD800  }
0xf: {  	[tilespmem:s12], [sflag:$0x1] =	stream.linear.gather [hbm4b:s6+s2], $0x7D0, $0x38;
	[tilespmem:$0x2FD0] =	vst v63  }
0x10: {  	_ =	swait.ge [sflag:s11], $0x7D0  }
0x11: {  	[sflag:s11] =	ssyncset.done $0x0  }
0x12: {  	s15 =	simm.s32 $0x0;
	s14 =	simm.s32 $0x40;
	[sflag:s11] =	ssyncadd.s32 $0xFFFFF830  }
.LBB2_2:
0x13: {  	p0 =	sne.s32 s14, $0x1F00;
	v1 =	vld [tilespmem:s15+$0x2800];
	_ =	sdelay $0x3  }
.Ltmp0:
0x14: {  	(pc) =	sbr.rel @p0 .LBB2_2-.Ltmp0, $2  }
0x15: {  	_ =	sdelay $0x2  }
0x16: {  	s15 =	sshra.s32 s14, $0x2;
	s14 =	sadd.s32 $0x40, s14;
	[tilespmem:v1+s2+$0x0] =	vst.idx.add.f32.msk $0xffff, v0  }
0x17: {  	v1 =	vld [tilespmem:s15+$0x2800];
	_ =	sdelay $0x7  }
0x18: {  	s14 =	simm.s32 $0x0;
	[tilespmem:v1+s2+$0x0] =	vst.idx.add.f32.msk $0xffff, v0  }
0x19: {  	[tilespmem:s12], [sflag:$0x1] =	stream.linear.gather [hbm4b:s7+s14], $0x7D0, $0x38;
	[tilespmem:$0x2FD0] =	vst v63  }
0x1a: {  	_ =	swait.ge [sflag:s11], $0x7D0  }
0x1b: {  	[sflag:s11] =	ssyncset.done $0x0  }
0x1c: {  	s15 =	simm.s32 $0x0;
	s14 =	simm.s32 $0x40;
	[sflag:s11] =	ssyncadd.s32 $0xFFFFF830  }
.LBB2_4:
0x1d: {  	p0 =	sne.s32 s14, $0x1F00;
	v1 =	vld [tilespmem:s15+$0x2800];
	_ =	sdelay $0x3  }
.Ltmp1:
0x1e: {  	(pc) =	sbr.rel @p0 .LBB2_4-.Ltmp1, $2  }
0x1f: {  	_ =	sdelay $0x2  }
0x20: {  	s15 =	sshra.s32 s14, $0x2;
	s14 =	sadd.s32 $0x40, s14;
	[tilespmem:v1+s2+$0x0] =	vst.idx.add.f32.msk $0xffff, v0  }
0x21: {  	v1 =	vld [tilespmem:s15+$0x2800];
	_ =	sdelay $0x7  }
0x22: {  	s14 =	simm.s32 $0x0;
	[tilespmem:v1+s2+$0x0] =	vst.idx.add.f32.msk $0xffff, v0  }
0x23: {  	[tilespmem:s12], [sflag:$0x1] =	stream.linear.gather [hbm4b:s8+s14], $0x7D0, $0x38;
	[tilespmem:$0x2FD0] =	vst v63  }
0x24: {  	_ =	swait.ge [sflag:s11], $0x7D0  }
0x25: {  	[sflag:s11] =	ssyncset.done $0x0  }
0x26: {  	s15 =	simm.s32 $0x0;
	s14 =	simm.s32 $0x40;
	[sflag:s11] =	ssyncadd.s32 $0xFFFFF830  }
.LBB2_6:
0x27: {  	p0 =	sne.s32 s14, $0x1F00;
	v1 =	vld [tilespmem:s15+$0x2800];
	_ =	sdelay $0x3  }
.Ltmp2:
0x28: {  	(pc) =	sbr.rel @p0 .LBB2_6-.Ltmp2, $2  }
0x29: {  	_ =	sdelay $0x2  }
0x2a: {  	s15 =	sshra.s32 s14, $0x2;
	s14 =	sadd.s32 $0x40, s14;
	[tilespmem:v1+s2+$0x0] =	vst.idx.add.f32.msk $0xffff, v0  }
0x2b: {  	v1 =	vld [tilespmem:s15+$0x2800];
	_ =	sdelay $0x7  }
0x2c: {  	s14 =	simm.s32 $0x0;
	[tilespmem:v1+s2+$0x0] =	vst.idx.add.f32.msk $0xffff, v0  }
0x2d: {  	[tilespmem:s12], [sflag:$0x1] =	stream.linear.gather [hbm4b:s9+s14], $0x7D0, $0x38;
	[tilespmem:$0x2FD0] =	vst v63  }
0x2e: {  	_ =	swait.ge [sflag:s11], $0x7D0  }
0x2f: {  	[sflag:s11] =	ssyncset.done $0x0  }
0x30: {  	s15 =	simm.s32 $0x0;
	s14 =	simm.s32 $0x40;
	[sflag:s11] =	ssyncadd.s32 $0xFFFFF830  }
.LBB2_8:
0x31: {  	p0 =	sne.s32 s14, $0x1F00;
	v1 =	vld [tilespmem:s15+$0x2800];
	_ =	sdelay $0x3  }
.Ltmp3:
0x32: {  	(pc) =	sbr.rel @p0 .LBB2_8-.Ltmp3, $2  }
0x33: {  	_ =	sdelay $0x2  }
0x34: {  	s15 =	sshra.s32 s14, $0x2;
	s14 =	sadd.s32 $0x40, s14;
	[tilespmem:v1+s2+$0x0] =	vst.idx.add.f32.msk $0xffff, v0  }
0x35: {  	v1 =	vld [tilespmem:s15+$0x2800];
	_ =	sdelay $0x7  }
0x36: {  	s14 =	simm.s32 $0x0;
	[tilespmem:v1+s2+$0x0] =	vst.idx.add.f32.msk $0xffff, v0  }
0x37: {  	[tilespmem:s12], [sflag:$0x1] =	stream.linear.gather [hbm4b:s10+s14], $0x7D0, $0x38;
	[tilespmem:$0x2FD0] =	vst v63  }
0x38: {  	_ =	swait.ge [sflag:s11], $0x7D0  }
0x39: {  	[sflag:s11] =	ssyncset.done $0x0  }
0x3a: {  	s15 =	simm.s32 $0x0;
	s14 =	simm.s32 $0x40;
	[sflag:s11] =	ssyncadd.s32 $0xFFFFF830  }
.LBB2_10:
0x3b: {  	p0 =	sne.s32 s14, $0x1F00;
	v1 =	vld [tilespmem:s15+$0x2800];
	_ =	sdelay $0x3  }
.Ltmp4:
0x3c: {  	(pc) =	sbr.rel @p0 .LBB2_10-.Ltmp4, $2  }
0x3d: {  	_ =	sdelay $0x2  }
0x3e: {  	s15 =	sshra.s32 s14, $0x2;
	s14 =	sadd.s32 $0x40, s14;
	[tilespmem:v1+s2+$0x0] =	vst.idx.add.f32.msk $0xffff, v0  }
0x3f: {  	v1 =	vld [tilespmem:s15+$0x2800];
	_ =	sdelay $0x5  }
0x40: {  	s13 =	sadd.s32 $0x1, s13  }
0x41: {  	p0 =	sne.s32 s13, s5  }
.Ltmp5:
0x42: {  	[tilespmem:v1+s2+$0x0] =	vst.idx.add.f32.msk $0xffff, v0;
	(pc) =	sbr.rel @p0 .LBB2_1-.Ltmp5, $4  }
0x43: {  	[hbm4b:s4+s2] =	stream.linear.scatter [tilespmem:s2], [sflag:$0x1], $0x2800, $0x38;
	[tilespmem:$0x2FD0] =	vst v63  }
0x44: {  	_ =	swait.ge [sflag:s11], $0x2800  }
0x45: {  	[sflag:s11] =	ssyncset.done $0x0  }
0x46: {  	[sflag:s11] =	ssyncadd.s32 $0xFFFFD800  }
0x47: {  	_ =	sfence.sel $0x180000  }
0x48: {  	[bflag:$0x0] =	sbarrier.arrive $0xFFFF  }
0x49: {  	p0 =	sne.s32 s0, $0x0;
	_ =	strace $0x90000047  }
0x4a: {  	s0 =	sadd.s32 @!p0 $0x100000, s1;
	[bflag:$0x2] =	sbarrier.arrive $0xFFFF  }
0x4b: {  	[sflag:s0] =	ssyncadd.tile.s32 @!p0 $0x1;
	_ =	shalt  }
.Lfunc_end2:
_tile_overlayer_lowered:
.L_overlay_start_2:
0x4c: {  	(tag) =	ssettag $0x2  }
0x4d: {  	s0 =	rddreg [dreg:$0x0];
	s2 =	stileid.u32  }
0x4e: {  	s1 =	rddreg [dreg:$0x1];
	p0 =	sne.s32 s2, $0x0  }
0x4f: {  	s3 =	rddreg [dreg:$0x2];
	[bflag:$0x3] =	sbarrier.arrive $0xFFFF;
	s2 =	simm.s32 @!p0 $0x1C01  }
0x50: {  	[timem:s3], [sflag:s2] =	dma.local @!p0 [hbm:s0], s1  }
0x51: {  	s0 =	simm.s32 @!p0 $0x1  }
0x52: {  	_ =	swait.ge @!p0 [sflag:s0], s1  }
0x53: {  	s1 =	ssub.s32 @!p0 $0x0, s1;
	[sflag:s0] =	ssyncset.done @!p0 $0x0  }
0x54: {  	[sflag:s0] =	ssyncadd.s32 @!p0 s1  }
0x55: {  	[bflag:$0x3] =	sbarrier.arrive $0xFFFF  }
0x56: {  	_ =	shalt  }

</sc_bundles>
